<compile_context>
chip_gen: v7x
topology: tpu7x:2x2x1
jax: 0.10.2.dev20260603
libtpu: 0.0.44.dev20260713+nightly
codegen_flags: <defaults>
</compile_context>

<pallas_src>
import functools

import jax
import jax.numpy as jnp
from jax import lax
from jax.experimental import pallas as pl
from jax.experimental.pallas import tpu as pltpu
from jax.experimental.pallas import tpu_sc as plsc

_NC = 2
_NS = 16
_NW = _NC * _NS
_L = 16

_HALF_PI = 1.5707963267948966
_PI = 3.141592653589793
_TINY = 1e-30

_ATAN_C = (0.99997726, -0.33262347, 0.19354346, -0.11643287, 0.05265332,
           -0.01172120)


def _rsqrt(x):
    i = plsc.bitcast(x, jnp.int32)
    i = jnp.int32(0x5F3759DF) - lax.shift_right_arithmetic(i, 1)
    y = plsc.bitcast(i, jnp.float32)
    for _ in range(2):
        y = y * (1.5 - 0.5 * x * y * y)
    return y


def _sqrt(x):
    xc = jnp.maximum(x, _TINY)
    return x * _rsqrt(xc)


def _atan2_pos(y, x):
    ax = jnp.abs(x)
    mn = jnp.minimum(y, ax)
    mx = jnp.maximum(y, ax)
    q = mn / jnp.maximum(mx, _TINY)
    q2 = q * q
    p = jnp.float32(_ATAN_C[5])
    for k in (4, 3, 2, 1, 0):
        p = p * q2 + _ATAN_C[k]
    p = p * q
    r = jnp.where(y > ax, _HALF_PI - p, p)
    return jnp.where(x < 0.0, _PI - r, r)


def _make_edge_kernel(E, EC):
    EPW = E // _NW
    n_chunks = EPW // EC
    assert EPW % EC == 0 and EC % _L == 0

    mesh = plsc.VectorSubcoreMesh(core_axis_name="c", subcore_axis_name="s")
    fvec = jax.ShapeDtypeStruct((E,), jnp.float32)

    @functools.partial(
        pl.kernel,
        mesh=mesh,
        compiler_params=pltpu.CompilerParams(needs_layout_passes=False),
        out_type=(fvec, fvec, fvec, fvec),
        scratch_types=[
            pltpu.VMEM((EC,), jnp.int32),
            pltpu.VMEM((EC,), jnp.int32),
            pltpu.VMEM((EC,), jnp.int32),
            pltpu.VMEM((3 * EC,), jnp.float32),
            pltpu.VMEM((EC,), jnp.float32),
            pltpu.VMEM((EC,), jnp.float32),
            pltpu.VMEM((EC,), jnp.float32),
            pltpu.VMEM((EC,), jnp.float32),
            pltpu.VMEM((EC,), jnp.float32),
            pltpu.VMEM((EC,), jnp.float32),
            pltpu.VMEM((EC,), jnp.float32),
            pltpu.VMEM((EC,), jnp.float32),
            pltpu.VMEM((EC,), jnp.float32),
            pltpu.VMEM((EC,), jnp.float32),
            pltpu.VMEM((144,), jnp.float32),
            pltpu.SemaphoreType.DMA,
        ],
    )
    def edge_k(dst_hbm, src_hbm, shift_hbm, px_hbm, py_hbm, pz_hbm,
               batch_hbm, lat_hbm,
               vx_hbm, vy_hbm, vz_hbm, dist_hbm,
               dst_v, src_v, batch_v, shift_v,
               pdx_v, pdy_v, pdz_v, psx_v, psy_v, psz_v,
               vx_v, vy_v, vz_v, dist_v, lat_v, sem):
        wid = lax.axis_index("s") * _NC + lax.axis_index("c")
        pltpu.sync_copy(lat_hbm, lat_v)
        lanes = lax.iota(jnp.int32, 16)

        def chunk_body(i, carry):
            base = wid * EPW + i * EC
            pltpu.sync_copy(dst_hbm.at[pl.ds(base, EC)], dst_v)
            pltpu.sync_copy(src_hbm.at[pl.ds(base, EC)], src_v)
            pltpu.sync_copy(shift_hbm.at[pl.ds(3 * base, 3 * EC)], shift_v)
            cps = [
                pltpu.async_copy(px_hbm.at[dst_v], pdx_v, sem),
                pltpu.async_copy(py_hbm.at[dst_v], pdy_v, sem),
                pltpu.async_copy(pz_hbm.at[dst_v], pdz_v, sem),
                pltpu.async_copy(px_hbm.at[src_v], psx_v, sem),
                pltpu.async_copy(py_hbm.at[src_v], psy_v, sem),
                pltpu.async_copy(pz_hbm.at[src_v], psz_v, sem),
                pltpu.async_copy(batch_hbm.at[src_v], batch_v, sem),
            ]
            for cp in cps:
                cp.wait()

            def vec_body(v, carry2):
                s = v * _L
                row3 = (s + lanes) * 3
                shx = plsc.load_gather(shift_v, [row3])
                shy = plsc.load_gather(shift_v, [row3 + 1])
                shz = plsc.load_gather(shift_v, [row3 + 2])
                b9 = batch_v[pl.ds(s, _L)] * 9
                l00 = plsc.load_gather(lat_v, [b9])
                l01 = plsc.load_gather(lat_v, [b9 + 1])
                l02 = plsc.load_gather(lat_v, [b9 + 2])
                l10 = plsc.load_gather(lat_v, [b9 + 3])
                l11 = plsc.load_gather(lat_v, [b9 + 4])
                l12 = plsc.load_gather(lat_v, [b9 + 5])
                l20 = plsc.load_gather(lat_v, [b9 + 6])
                l21 = plsc.load_gather(lat_v, [b9 + 7])
                l22 = plsc.load_gather(lat_v, [b9 + 8])
                scx = shx * l00 + shy * l10 + shz * l20
                scy = shx * l01 + shy * l11 + shz * l21
                scz = shx * l02 + shy * l12 + shz * l22
                vx = pdx_v[pl.ds(s, _L)] - psx_v[pl.ds(s, _L)] + scx
                vy = pdy_v[pl.ds(s, _L)] - psy_v[pl.ds(s, _L)] + scy
                vz = pdz_v[pl.ds(s, _L)] - psz_v[pl.ds(s, _L)] + scz
                vv = vx * vx + vy * vy + vz * vz
                vx_v[pl.ds(s, _L)] = vx
                vy_v[pl.ds(s, _L)] = vy
                vz_v[pl.ds(s, _L)] = vz
                dist_v[pl.ds(s, _L)] = _sqrt(vv)
                return carry2

            lax.fori_loop(0, EC // _L, vec_body, 0)
            pltpu.sync_copy(vx_v, vx_hbm.at[pl.ds(base, EC)])
            pltpu.sync_copy(vy_v, vy_hbm.at[pl.ds(base, EC)])
            pltpu.sync_copy(vz_v, vz_hbm.at[pl.ds(base, EC)])
            pltpu.sync_copy(dist_v, dist_hbm.at[pl.ds(base, EC)])
            return carry

        lax.fori_loop(0, n_chunks, chunk_body, 0)

    return edge_k


def _make_angle_kernel(T, TC):
    TPW = T // _NW
    n_chunks = TPW // TC
    assert TPW % TC == 0 and TC % _L == 0

    mesh = plsc.VectorSubcoreMesh(core_axis_name="c", subcore_axis_name="s")

    @functools.partial(
        pl.kernel,
        mesh=mesh,
        compiler_params=pltpu.CompilerParams(needs_layout_passes=False),
        out_type=jax.ShapeDtypeStruct((T,), jnp.float32),
        scratch_types=[
            pltpu.VMEM((TC,), jnp.int32),
            pltpu.VMEM((TC,), jnp.int32),
            pltpu.VMEM((TC,), jnp.float32),
            pltpu.VMEM((TC,), jnp.float32),
            pltpu.VMEM((TC,), jnp.float32),
            pltpu.VMEM((TC,), jnp.float32),
            pltpu.VMEM((TC,), jnp.float32),
            pltpu.VMEM((TC,), jnp.float32),
            pltpu.VMEM((TC,), jnp.float32),
            pltpu.SemaphoreType.DMA,
        ],
    )
    def angle_k(vx_hbm, vy_hbm, vz_hbm, ji_hbm, kj_hbm, ang_hbm,
                ji_v, kj_v, ax_v, ay_v, az_v, bx_v, by_v, bz_v, ang_v, sem):
        wid = lax.axis_index("s") * _NC + lax.axis_index("c")

        def chunk_body(i, carry):
            base = wid * TPW + i * TC
            pltpu.sync_copy(ji_hbm.at[pl.ds(base, TC)], ji_v)
            pltpu.sync_copy(kj_hbm.at[pl.ds(base, TC)], kj_v)
            cps = [
                pltpu.async_copy(vx_hbm.at[ji_v], ax_v, sem),
                pltpu.async_copy(vy_hbm.at[ji_v], ay_v, sem),
                pltpu.async_copy(vz_hbm.at[ji_v], az_v, sem),
                pltpu.async_copy(vx_hbm.at[kj_v], bx_v, sem),
                pltpu.async_copy(vy_hbm.at[kj_v], by_v, sem),
                pltpu.async_copy(vz_hbm.at[kj_v], bz_v, sem),
            ]
            for cp in cps:
                cp.wait()

            def vec_body(v, carry2):
                s = v * _L
                ax = ax_v[pl.ds(s, _L)]
                ay = ay_v[pl.ds(s, _L)]
                az = az_v[pl.ds(s, _L)]
                bx = bx_v[pl.ds(s, _L)]
                by = by_v[pl.ds(s, _L)]
                bz = bz_v[pl.ds(s, _L)]
                inner = ax * bx + ay * by + az * bz
                cx = ay * bz - az * by
                cy = az * bx - ax * bz
                cz = ax * by - ay * bx
                cc = cx * cx + cy * cy + cz * cz
                outter = _sqrt(cc)
                ang_v[pl.ds(s, _L)] = _atan2_pos(outter, inner)
                return carry2

            lax.fori_loop(0, TC // _L, vec_body, 0)
            pltpu.sync_copy(ang_v, ang_hbm.at[pl.ds(base, TC)])
            return carry

        lax.fori_loop(0, n_chunks, chunk_body, 0)

    return angle_k


def kernel(pos, edge_shift, lattice, edge_index, batch_idx, edge_idx_ji,
           edge_idx_kj):
    E = edge_shift.shape[0]
    T = edge_idx_ji.shape[0]
    edge_dst = edge_index[0]
    edge_src = edge_index[1]
    pos_t = pos.T
    lat_flat = lattice.reshape(-1)
    shift_flat = edge_shift.reshape(-1)

    edge_k = _make_edge_kernel(E, EC=4000)
    angle_k = _make_angle_kernel(T, TC=8000)

    vx, vy, vz, edge_dist = edge_k(edge_dst, edge_src, shift_flat,
                                   pos_t[0], pos_t[1], pos_t[2],
                                   batch_idx, lat_flat)
    angles = angle_k(vx, vy, vz, edge_idx_ji, edge_idx_kj)
    return edge_dist, angles

# --- scband reference (transcript-rebuilt; emitter-appended) ---
"""Pipeline reference for scband-base-mpnn-23862838297029 (READ-ONLY COPY).

The authoritative reference and input builder live on the scoring server;
editing this copy changes nothing except your own understanding.
"""

import jax, jax.numpy as jnp
import numpy as np

N = 100000
E = 6400000
T = 12800000
B = 16


def setup_inputs(seed: int = 0) -> dict:
    key = jax.random.key(seed)
    ks = jax.random.split(key, 7)
    pos = jax.random.normal(ks[0], (N, 3), dtype=jnp.float32)
    edge_shift = jax.random.normal(ks[1], (E, 3), dtype=jnp.float32)
    lattice = jax.random.normal(ks[2], (B, 3, 3), dtype=jnp.float32)
    edge_index = jax.random.randint(ks[3], (2, E), 0, N, dtype=jnp.int32)
    batch_idx = jnp.sort(jax.random.randint(ks[4], (N,), 0, B, dtype=jnp.int32))
    edge_idx_ji = jax.random.randint(ks[5], (T,), 0, E, dtype=jnp.int32)
    edge_idx_kj = jax.random.randint(ks[6], (T,), 0, E, dtype=jnp.int32)
    return {
        'pos': pos,
        'edge_shift': edge_shift,
        'lattice': lattice,
        'edge_index': edge_index,
        'batch_idx': batch_idx,
        'edge_idx_ji': edge_idx_ji,
        'edge_idx_kj': edge_idx_kj,
    }


def reference(pos, edge_shift, lattice, edge_index, batch_idx, edge_idx_ji, edge_idx_kj):
    # calc_atomic_distances(return_vec=True)
    edge_dst = edge_index[0]
    edge_src = edge_index[1]
    edge_batch = batch_idx[edge_src]
    # pos gather + PBC shift: einsum('ni,nij->nj', edge_shift, lattice[edge_batch])
    shift_cart = jnp.einsum('ni,nij->nj', edge_shift, lattice[edge_batch])
    edge_vec = pos[edge_dst] - pos[edge_src] + shift_cart
    edge_dist = jnp.linalg.norm(edge_vec, axis=1)
    # calc_3body_angles
    vec_ij = edge_vec[edge_idx_ji]
    vec_jk = edge_vec[edge_idx_kj]
    inner = jnp.sum(vec_ij * vec_jk, axis=-1)
    outter = jnp.linalg.norm(jnp.cross(vec_ij, vec_jk), axis=-1)
    angles = jnp.arctan2(outter, inner)
    return edge_dist, angles

if __name__ == "__main__":
    import jax
    _d = setup_inputs()
    print(jax.jit(kernel)(*tuple(_d.values())))

</pallas_src>

<mosaic_0001>
#map = affine_map<(d0, d1) -> (0)>
module attributes {stable_mosaic.version = 14 : i64} {
  func.func @edge_k(%arg0: i32, %arg1: i32, %arg2: memref<6400000xi32, #tpu.memory_space<hbm>>, %arg3: memref<6400000xi32, #tpu.memory_space<hbm>>, %arg4: memref<19200000xf32, #tpu.memory_space<hbm>>, %arg5: memref<100000xf32, #tpu.memory_space<hbm>>, %arg6: memref<100000xf32, #tpu.memory_space<hbm>>, %arg7: memref<100000xf32, #tpu.memory_space<hbm>>, %arg8: memref<100000xi32, #tpu.memory_space<hbm>>, %arg9: memref<144xf32, #tpu.memory_space<hbm>>, %arg10: memref<6400000xf32, #tpu.memory_space<hbm>>, %arg11: memref<6400000xf32, #tpu.memory_space<hbm>>, %arg12: memref<6400000xf32, #tpu.memory_space<hbm>>, %arg13: memref<6400000xf32, #tpu.memory_space<hbm>>, %arg14: memref<4000xi32, #tpu.memory_space<vmem>>, %arg15: memref<4000xi32, #tpu.memory_space<vmem>>, %arg16: memref<4000xi32, #tpu.memory_space<vmem>>, %arg17: memref<12000xf32, #tpu.memory_space<vmem>>, %arg18: memref<4000xf32, #tpu.memory_space<vmem>>, %arg19: memref<4000xf32, #tpu.memory_space<vmem>>, %arg20: memref<4000xf32, #tpu.memory_space<vmem>>, %arg21: memref<4000xf32, #tpu.memory_space<vmem>>, %arg22: memref<4000xf32, #tpu.memory_space<vmem>>, %arg23: memref<4000xf32, #tpu.memory_space<vmem>>, %arg24: memref<4000xf32, #tpu.memory_space<vmem>>, %arg25: memref<4000xf32, #tpu.memory_space<vmem>>, %arg26: memref<4000xf32, #tpu.memory_space<vmem>>, %arg27: memref<4000xf32, #tpu.memory_space<vmem>>, %arg28: memref<144xf32, #tpu.memory_space<vmem>>, %arg29: memref<!tpu.dma_semaphore, #tpu.memory_space<semaphore_mem>>) attributes {dimension_semantics = [#tpu.dimension_semantics<core_parallel>, #tpu.dimension_semantics<subcore_parallel>], iteration_bounds = array<i64: 2, 16>, scalar_prefetch = 0 : i64, scratch_operands = 16 : i64, tpu.core_type = #tpu.core_type<sc_vector_subcore>, window_params = [{transform_indices = #map}, {transform_indices = #map}, {transform_indices = #map}, {transform_indices = #map}, {transform_indices = #map}, {transform_indices = #map}, {transform_indices = #map}, {transform_indices = #map}, {transform_indices = #map}, {transform_indices = #map}, {transform_indices = #map}, {transform_indices = #map}]} {
    %mul3A = arith.constant 2 : i32
    %mul3A_0 = arith.muli %arg1, %mul3A : i32
    %add3A = arith.addi %mul3A_0, %arg0 : i32
    "tpu.region"() ({
      %run_scoped3A = tpu.sem_alloc : memref<!tpu.dma_semaphore, #tpu.memory_space<semaphore_mem>>
      tpu.enqueue_dma source(%arg9 : memref<144xf32, #tpu.memory_space<hbm>>) target(%arg28 : memref<144xf32, #tpu.memory_space<vmem>>) target_semaphore(%run_scoped3A : memref<!tpu.dma_semaphore, #tpu.memory_space<semaphore_mem>>)
      tpu.wait_dma2 semaphore(%run_scoped3A : memref<!tpu.dma_semaphore, #tpu.memory_space<semaphore_mem>>) src(%arg9 : memref<144xf32, #tpu.memory_space<hbm>>) dst(%arg28 : memref<144xf32, #tpu.memory_space<vmem>>)
      tpu.yield
    }) : () -> ()
    %iota3A = tpu.iota {dimensions = array<i32: 0>} : vector<16xi32>
    %scan3A = arith.constant 0 : i32
    %scan3A_1 = arith.constant 0 : i32
    %scan3A_2 = arith.constant 50 : i32
    %scan3A_3 = arith.addi %scan3A_1, %scan3A_2 : i32
    %scan3A_4 = arith.constant 1 : i32
    scf.for %scan3A_6 = %scan3A_1 to %scan3A_3 step %scan3A_4  : i32 {
      %mul3A_7 = arith.constant 200000 : i32
      %mul3A_8 = arith.muli %add3A, %mul3A_7 : i32
      %mul3A_9 = arith.constant 4000 : i32
      %mul3A_10 = arith.muli %scan3A_6, %mul3A_9 : i32
      %add3A_11 = arith.addi %mul3A_8, %mul3A_10 : i32
      "tpu.region"() ({
        %run_scoped3A = tpu.sem_alloc : memref<!tpu.dma_semaphore, #tpu.memory_space<semaphore_mem>>
        %dma_start3A_46 = tpu.memref_slice %arg2[%add3A_11] : memref<6400000xi32, #tpu.memory_space<hbm>> -> memref<4000xi32, #tpu.memory_space<hbm>>
        %dma_start3A_47 = tpu.memref_slice %arg2[%add3A_11] : memref<6400000xi32, #tpu.memory_space<hbm>> -> memref<4000xi32, #tpu.memory_space<hbm>>
        tpu.enqueue_dma source(%dma_start3A_47 : memref<4000xi32, #tpu.memory_space<hbm>>) target(%arg14 : memref<4000xi32, #tpu.memory_space<vmem>>) target_semaphore(%run_scoped3A : memref<!tpu.dma_semaphore, #tpu.memory_space<semaphore_mem>>)
        %dma_wait3A_48 = tpu.memref_slice %arg2[%add3A_11] : memref<6400000xi32, #tpu.memory_space<hbm>> -> memref<4000xi32, #tpu.memory_space<hbm>>
        %dma_wait3A_49 = tpu.memref_slice %arg2[%add3A_11] : memref<6400000xi32, #tpu.memory_space<hbm>> -> memref<4000xi32, #tpu.memory_space<hbm>>
        tpu.wait_dma2 semaphore(%run_scoped3A : memref<!tpu.dma_semaphore, #tpu.memory_space<semaphore_mem>>) src(%dma_wait3A_49 : memref<4000xi32, #tpu.memory_space<hbm>>) dst(%arg14 : memref<4000xi32, #tpu.memory_space<vmem>>)
        tpu.yield
      }) : () -> ()
      "tpu.region"() ({
        %run_scoped3A = tpu.sem_alloc : memref<!tpu.dma_semaphore, #tpu.memory_space<semaphore_mem>>
        %dma_start3A_46 = tpu.memref_slice %arg3[%add3A_11] : memref<6400000xi32, #tpu.memory_space<hbm>> -> memref<4000xi32, #tpu.memory_space<hbm>>
        %dma_start3A_47 = tpu.memref_slice %arg3[%add3A_11] : memref<6400000xi32, #tpu.memory_space<hbm>> -> memref<4000xi32, #tpu.memory_space<hbm>>
        tpu.enqueue_dma source(%dma_start3A_47 : memref<4000xi32, #tpu.memory_space<hbm>>) target(%arg15 : memref<4000xi32, #tpu.memory_space<vmem>>) target_semaphore(%run_scoped3A : memref<!tpu.dma_semaphore, #tpu.memory_space<semaphore_mem>>)
        %dma_wait3A_48 = tpu.memref_slice %arg3[%add3A_11] : memref<6400000xi32, #tpu.memory_space<hbm>> -> memref<4000xi32, #tpu.memory_space<hbm>>
        %dma_wait3A_49 = tpu.memref_slice %arg3[%add3A_11] : memref<6400000xi32, #tpu.memory_space<hbm>> -> memref<4000xi32, #tpu.memory_space<hbm>>
        tpu.wait_dma2 semaphore(%run_scoped3A : memref<!tpu.dma_semaphore, #tpu.memory_space<semaphore_mem>>) src(%dma_wait3A_49 : memref<4000xi32, #tpu.memory_space<hbm>>) dst(%arg15 : memref<4000xi32, #tpu.memory_space<vmem>>)
        tpu.yield
      }) : () -> ()
      %mul3A_12 = arith.constant 3 : i32
      %mul3A_13 = arith.muli %mul3A_12, %add3A_11 : i32
      "tpu.region"() ({
        %run_scoped3A = tpu.sem_alloc : memref<!tpu.dma_semaphore, #tpu.memory_space<semaphore_mem>>
        %dma_start3A_46 = tpu.memref_slice %arg4[%mul3A_13] : memref<19200000xf32, #tpu.memory_space<hbm>> -> memref<12000xf32, #tpu.memory_space<hbm>>
        %dma_start3A_47 = tpu.memref_slice %arg4[%mul3A_13] : memref<19200000xf32, #tpu.memory_space<hbm>> -> memref<12000xf32, #tpu.memory_space<hbm>>
        tpu.enqueue_dma source(%dma_start3A_47 : memref<12000xf32, #tpu.memory_space<hbm>>) target(%arg17 : memref<12000xf32, #tpu.memory_space<vmem>>) target_semaphore(%run_scoped3A : memref<!tpu.dma_semaphore, #tpu.memory_space<semaphore_mem>>)
        %dma_wait3A_48 = tpu.memref_slice %arg4[%mul3A_13] : memref<19200000xf32, #tpu.memory_space<hbm>> -> memref<12000xf32, #tpu.memory_space<hbm>>
        %dma_wait3A_49 = tpu.memref_slice %arg4[%mul3A_13] : memref<19200000xf32, #tpu.memory_space<hbm>> -> memref<12000xf32, #tpu.memory_space<hbm>>
        tpu.wait_dma2 semaphore(%run_scoped3A : memref<!tpu.dma_semaphore, #tpu.memory_space<semaphore_mem>>) src(%dma_wait3A_49 : memref<12000xf32, #tpu.memory_space<hbm>>) dst(%arg17 : memref<12000xf32, #tpu.memory_space<vmem>>)
        tpu.yield
      }) : () -> ()
      %dma_start3A = arith.constant 0 : i32
      %dma_start3A_14 = tpu.memref_slice %arg5[%dma_start3A] : memref<100000xf32, #tpu.memory_space<hbm>> -> memref<100000xf32, #tpu.memory_space<hbm>>
      tpu.enqueue_indirect_dma source(%dma_start3A_14 : memref<100000xf32, #tpu.memory_space<hbm>>) target(%arg18 : memref<4000xf32, #tpu.memory_space<vmem>>) offsets(%arg14 : memref<4000xi32, #tpu.memory_space<vmem>>) semaphore(%arg29 : memref<!tpu.dma_semaphore, #tpu.memory_space<semaphore_mem>>)
      %dma_start3A_15 = arith.constant 0 : i32
      %dma_start3A_16 = tpu.memref_slice %arg6[%dma_start3A_15] : memref<100000xf32, #tpu.memory_space<hbm>> -> memref<100000xf32, #tpu.memory_space<hbm>>
      tpu.enqueue_indirect_dma source(%dma_start3A_16 : memref<100000xf32, #tpu.memory_space<hbm>>) target(%arg19 : memref<4000xf32, #tpu.memory_space<vmem>>) offsets(%arg14 : memref<4000xi32, #tpu.memory_space<vmem>>) semaphore(%arg29 : memref<!tpu.dma_semaphore, #tpu.memory_space<semaphore_mem>>)
      %dma_start3A_17 = arith.constant 0 : i32
      %dma_start3A_18 = tpu.memref_slice %arg7[%dma_start3A_17] : memref<100000xf32, #tpu.memory_space<hbm>> -> memref<100000xf32, #tpu.memory_space<hbm>>
      tpu.enqueue_indirect_dma source(%dma_start3A_18 : memref<100000xf32, #tpu.memory_space<hbm>>) target(%arg20 : memref<4000xf32, #tpu.memory_space<vmem>>) offsets(%arg14 : memref<4000xi32, #tpu.memory_space<vmem>>) semaphore(%arg29 : memref<!tpu.dma_semaphore, #tpu.memory_space<semaphore_mem>>)
      %dma_start3A_19 = arith.constant 0 : i32
      %dma_start3A_20 = tpu.memref_slice %arg5[%dma_start3A_19] : memref<100000xf32, #tpu.memory_space<hbm>> -> memref<100000xf32, #tpu.memory_space<hbm>>
      tpu.enqueue_indirect_dma source(%dma_start3A_20 : memref<100000xf32, #tpu.memory_space<hbm>>) target(%arg21 : memref<4000xf32, #tpu.memory_space<vmem>>) offsets(%arg15 : memref<4000xi32, #tpu.memory_space<vmem>>) semaphore(%arg29 : memref<!tpu.dma_semaphore, #tpu.memory_space<semaphore_mem>>)
      %dma_start3A_21 = arith.constant 0 : i32
      %dma_start3A_22 = tpu.memref_slice %arg6[%dma_start3A_21] : memref<100000xf32, #tpu.memory_space<hbm>> -> memref<100000xf32, #tpu.memory_space<hbm>>
      tpu.enqueue_indirect_dma source(%dma_start3A_22 : memref<100000xf32, #tpu.memory_space<hbm>>) target(%arg22 : memref<4000xf32, #tpu.memory_space<vmem>>) offsets(%arg15 : memref<4000xi32, #tpu.memory_space<vmem>>) semaphore(%arg29 : memref<!tpu.dma_semaphore, #tpu.memory_space<semaphore_mem>>)
      %dma_start3A_23 = arith.constant 0 : i32
      %dma_start3A_24 = tpu.memref_slice %arg7[%dma_start3A_23] : memref<100000xf32, #tpu.memory_space<hbm>> -> memref<100000xf32, #tpu.memory_space<hbm>>
      tpu.enqueue_indirect_dma source(%dma_start3A_24 : memref<100000xf32, #tpu.memory_space<hbm>>) target(%arg23 : memref<4000xf32, #tpu.memory_space<vmem>>) offsets(%arg15 : memref<4000xi32, #tpu.memory_space<vmem>>) semaphore(%arg29 : memref<!tpu.dma_semaphore, #tpu.memory_space<semaphore_mem>>)
      %dma_start3A_25 = arith.constant 0 : i32
      %dma_start3A_26 = tpu.memref_slice %arg8[%dma_start3A_25] : memref<100000xi32, #tpu.memory_space<hbm>> -> memref<100000xi32, #tpu.memory_space<hbm>>
      tpu.enqueue_indirect_dma source(%dma_start3A_26 : memref<100000xi32, #tpu.memory_space<hbm>>) target(%arg16 : memref<4000xi32, #tpu.memory_space<vmem>>) offsets(%arg15 : memref<4000xi32, #tpu.memory_space<vmem>>) semaphore(%arg29 : memref<!tpu.dma_semaphore, #tpu.memory_space<semaphore_mem>>)
      %dma_wait3A = arith.constant 0 : i32
      %dma_wait3A_27 = tpu.memref_slice %arg5[%dma_wait3A] : memref<100000xf32, #tpu.memory_space<hbm>> -> memref<100000xf32, #tpu.memory_space<hbm>>
      tpu.wait_indirect_dma semaphore(%arg29 : memref<!tpu.dma_semaphore, #tpu.memory_space<semaphore_mem>>) src(%dma_wait3A_27 : memref<100000xf32, #tpu.memory_space<hbm>>) dst(%arg18 : memref<4000xf32, #tpu.memory_space<vmem>>)
      %dma_wait3A_28 = arith.constant 0 : i32
      %dma_wait3A_29 = tpu.memref_slice %arg6[%dma_wait3A_28] : memref<100000xf32, #tpu.memory_space<hbm>> -> memref<100000xf32, #tpu.memory_space<hbm>>
      tpu.wait_indirect_dma semaphore(%arg29 : memref<!tpu.dma_semaphore, #tpu.memory_space<semaphore_mem>>) src(%dma_wait3A_29 : memref<100000xf32, #tpu.memory_space<hbm>>) dst(%arg19 : memref<4000xf32, #tpu.memory_space<vmem>>)
      %dma_wait3A_30 = arith.constant 0 : i32
      %dma_wait3A_31 = tpu.memref_slice %arg7[%dma_wait3A_30] : memref<100000xf32, #tpu.memory_space<hbm>> -> memref<100000xf32, #tpu.memory_space<hbm>>
      tpu.wait_indirect_dma semaphore(%arg29 : memref<!tpu.dma_semaphore, #tpu.memory_space<semaphore_mem>>) src(%dma_wait3A_31 : memref<100000xf32, #tpu.memory_space<hbm>>) dst(%arg20 : memref<4000xf32, #tpu.memory_space<vmem>>)
      %dma_wait3A_32 = arith.constant 0 : i32
      %dma_wait3A_33 = tpu.memref_slice %arg5[%dma_wait3A_32] : memref<100000xf32, #tpu.memory_space<hbm>> -> memref<100000xf32, #tpu.memory_space<hbm>>
      tpu.wait_indirect_dma semaphore(%arg29 : memref<!tpu.dma_semaphore, #tpu.memory_space<semaphore_mem>>) src(%dma_wait3A_33 : memref<100000xf32, #tpu.memory_space<hbm>>) dst(%arg21 : memref<4000xf32, #tpu.memory_space<vmem>>)
      %dma_wait3A_34 = arith.constant 0 : i32
      %dma_wait3A_35 = tpu.memref_slice %arg6[%dma_wait3A_34] : memref<100000xf32, #tpu.memory_space<hbm>> -> memref<100000xf32, #tpu.memory_space<hbm>>
      tpu.wait_indirect_dma semaphore(%arg29 : memref<!tpu.dma_semaphore, #tpu.memory_space<semaphore_mem>>) src(%dma_wait3A_35 : memref<100000xf32, #tpu.memory_space<hbm>>) dst(%arg22 : memref<4000xf32, #tpu.memory_space<vmem>>)
      %dma_wait3A_36 = arith.constant 0 : i32
      %dma_wait3A_37 = tpu.memref_slice %arg7[%dma_wait3A_36] : memref<100000xf32, #tpu.memory_space<hbm>> -> memref<100000xf32, #tpu.memory_space<hbm>>
      tpu.wait_indirect_dma semaphore(%arg29 : memref<!tpu.dma_semaphore, #tpu.memory_space<semaphore_mem>>) src(%dma_wait3A_37 : memref<100000xf32, #tpu.memory_space<hbm>>) dst(%arg23 : memref<4000xf32, #tpu.memory_space<vmem>>)
      %dma_wait3A_38 = arith.constant 0 : i32
      %dma_wait3A_39 = tpu.memref_slice %arg8[%dma_wait3A_38] : memref<100000xi32, #tpu.memory_space<hbm>> -> memref<100000xi32, #tpu.memory_space<hbm>>
      tpu.wait_indirect_dma semaphore(%arg29 : memref<!tpu.dma_semaphore, #tpu.memory_space<semaphore_mem>>) src(%dma_wait3A_39 : memref<100000xi32, #tpu.memory_space<hbm>>) dst(%arg16 : memref<4000xi32, #tpu.memory_space<vmem>>)
      %scan3A_40 = arith.constant 0 : i32
      %scan3A_41 = arith.constant 0 : i32
      %scan3A_42 = arith.constant 250 : i32
      %scan3A_43 = arith.addi %scan3A_41, %scan3A_42 : i32
      %scan3A_44 = arith.constant 1 : i32
      scf.for %scan3A_46 = %scan3A_41 to %scan3A_43 step %scan3A_44  : i32 {
        %mul3A_47 = arith.constant 16 : i32
        %mul3A_48 = arith.muli %scan3A_46, %mul3A_47 : i32
        %add3A_49 = vector.broadcast %mul3A_48 : i32 to vector<16xi32>
        %add3A_50 = arith.addi %add3A_49, %iota3A : vector<16xi32>
        %mul3A_51 = arith.constant 3 : i32
        %mul3A_52 = vector.broadcast %mul3A_51 : i32 to vector<16xi32>
        %mul3A_53 = arith.muli %add3A_50, %mul3A_52 : vector<16xi32>
        %gather3A = tpu.vector_load_idx %arg17[%mul3A_53] : memref<12000xf32, #tpu.memory_space<vmem>>[vector<16xi32>], vector<16xf32>,
        %add3A_54 = arith.constant 1 : i32
        %add3A_55 = vector.broadcast %add3A_54 : i32 to vector<16xi32>
        %add3A_56 = arith.addi %mul3A_53, %add3A_55 : vector<16xi32>
        %gather3A_57 = tpu.vector_load_idx %arg17[%add3A_56] : memref<12000xf32, #tpu.memory_space<vmem>>[vector<16xi32>], vector<16xf32>,
        %add3A_58 = arith.constant 2 : i32
        %add3A_59 = vector.broadcast %add3A_58 : i32 to vector<16xi32>
        %add3A_60 = arith.addi %mul3A_53, %add3A_59 : vector<16xi32>
        %gather3A_61 = tpu.vector_load_idx %arg17[%add3A_60] : memref<12000xf32, #tpu.memory_space<vmem>>[vector<16xi32>], vector<16xf32>,
        %get3A = arith.index_cast %mul3A_48 : i32 to index
        %get3A_62 = tpu.vector_load %arg16[%get3A] {strides = array<i32>} : memref<4000xi32, #tpu.memory_space<vmem>>, vector<16xi32>,
        %mul3A_63 = arith.constant 9 : i32
        %mul3A_64 = vector.broadcast %mul3A_63 : i32 to vector<16xi32>
        %mul3A_65 = arith.muli %get3A_62, %mul3A_64 : vector<16xi32>
        %gather3A_66 = tpu.vector_load_idx %arg28[%mul3A_65] : memref<144xf32, #tpu.memory_space<vmem>>[vector<16xi32>], vector<16xf32>,
        %add3A_67 = arith.constant 1 : i32
        %add3A_68 = vector.broadcast %add3A_67 : i32 to vector<16xi32>
        %add3A_69 = arith.addi %mul3A_65, %add3A_68 : vector<16xi32>
        %gather3A_70 = tpu.vector_load_idx %arg28[%add3A_69] : memref<144xf32, #tpu.memory_space<vmem>>[vector<16xi32>], vector<16xf32>,
        %add3A_71 = arith.constant 2 : i32
        %add3A_72 = vector.broadcast %add3A_71 : i32 to vector<16xi32>
        %add3A_73 = arith.addi %mul3A_65, %add3A_72 : vector<16xi32>
        %gather3A_74 = tpu.vector_load_idx %arg28[%add3A_73] : memref<144xf32, #tpu.memory_space<vmem>>[vector<16xi32>], vector<16xf32>,
        %add3A_75 = arith.constant 3 : i32
        %add3A_76 = vector.broadcast %add3A_75 : i32 to vector<16xi32>
        %add3A_77 = arith.addi %mul3A_65, %add3A_76 : vector<16xi32>
        %gather3A_78 = tpu.vector_load_idx %arg28[%add3A_77] : memref<144xf32, #tpu.memory_space<vmem>>[vector<16xi32>], vector<16xf32>,
        %add3A_79 = arith.constant 4 : i32
        %add3A_80 = vector.broadcast %add3A_79 : i32 to vector<16xi32>
        %add3A_81 = arith.addi %mul3A_65, %add3A_80 : vector<16xi32>
        %gather3A_82 = tpu.vector_load_idx %arg28[%add3A_81] : memref<144xf32, #tpu.memory_space<vmem>>[vector<16xi32>], vector<16xf32>,
        %add3A_83 = arith.constant 5 : i32
        %add3A_84 = vector.broadcast %add3A_83 : i32 to vector<16xi32>
        %add3A_85 = arith.addi %mul3A_65, %add3A_84 : vector<16xi32>
        %gather3A_86 = tpu.vector_load_idx %arg28[%add3A_85] : memref<144xf32, #tpu.memory_space<vmem>>[vector<16xi32>], vector<16xf32>,
        %add3A_87 = arith.constant 6 : i32
        %add3A_88 = vector.broadcast %add3A_87 : i32 to vector<16xi32>
        %add3A_89 = arith.addi %mul3A_65, %add3A_88 : vector<16xi32>
        %gather3A_90 = tpu.vector_load_idx %arg28[%add3A_89] : memref<144xf32, #tpu.memory_space<vmem>>[vector<16xi32>], vector<16xf32>,
        %add3A_91 = arith.constant 7 : i32
        %add3A_92 = vector.broadcast %add3A_91 : i32 to vector<16xi32>
        %add3A_93 = arith.addi %mul3A_65, %add3A_92 : vector<16xi32>
        %gather3A_94 = tpu.vector_load_idx %arg28[%add3A_93] : memref<144xf32, #tpu.memory_space<vmem>>[vector<16xi32>], vector<16xf32>,
        %add3A_95 = arith.constant 8 : i32
        %add3A_96 = vector.broadcast %add3A_95 : i32 to vector<16xi32>
        %add3A_97 = arith.addi %mul3A_65, %add3A_96 : vector<16xi32>
        %gather3A_98 = tpu.vector_load_idx %arg28[%add3A_97] : memref<144xf32, #tpu.memory_space<vmem>>[vector<16xi32>], vector<16xf32>,
        %mul3A_99 = arith.mulf %gather3A, %gather3A_66 : vector<16xf32>
        %mul3A_100 = arith.mulf %gather3A_57, %gather3A_78 : vector<16xf32>
        %add3A_101 = arith.addf %mul3A_99, %mul3A_100 : vector<16xf32>
        %mul3A_102 = arith.mulf %gather3A_61, %gather3A_90 : vector<16xf32>
        %add3A_103 = arith.addf %add3A_101, %mul3A_102 : vector<16xf32>
        %mul3A_104 = arith.mulf %gather3A, %gather3A_70 : vector<16xf32>
        %mul3A_105 = arith.mulf %gather3A_57, %gather3A_82 : vector<16xf32>
        %add3A_106 = arith.addf %mul3A_104, %mul3A_105 : vector<16xf32>
        %mul3A_107 = arith.mulf %gather3A_61, %gather3A_94 : vector<16xf32>
        %add3A_108 = arith.addf %add3A_106, %mul3A_107 : vector<16xf32>
        %mul3A_109 = arith.mulf %gather3A, %gather3A_74 : vector<16xf32>
        %mul3A_110 = arith.mulf %gather3A_57, %gather3A_86 : vector<16xf32>
        %add3A_111 = arith.addf %mul3A_109, %mul3A_110 : vector<16xf32>
        %mul3A_112 = arith.mulf %gather3A_61, %gather3A_98 : vector<16xf32>
        %add3A_113 = arith.addf %add3A_111, %mul3A_112 : vector<16xf32>
        %get3A_114 = arith.index_cast %mul3A_48 : i32 to index
        %get3A_115 = tpu.vector_load %arg18[%get3A_114] {strides = array<i32>} : memref<4000xf32, #tpu.memory_space<vmem>>, vector<16xf32>,
        %get3A_116 = arith.index_cast %mul3A_48 : i32 to index
        %get3A_117 = tpu.vector_load %arg21[%get3A_116] {strides = array<i32>} : memref<4000xf32, #tpu.memory_space<vmem>>, vector<16xf32>,
        %sub3A = arith.subf %get3A_115, %get3A_117 : vector<16xf32>
        %add3A_118 = arith.addf %sub3A, %add3A_103 : vector<16xf32>
        %get3A_119 = arith.index_cast %mul3A_48 : i32 to index
        %get3A_120 = tpu.vector_load %arg19[%get3A_119] {strides = array<i32>} : memref<4000xf32, #tpu.memory_space<vmem>>, vector<16xf32>,
        %get3A_121 = arith.index_cast %mul3A_48 : i32 to index
        %get3A_122 = tpu.vector_load %arg22[%get3A_121] {strides = array<i32>} : memref<4000xf32, #tpu.memory_space<vmem>>, vector<16xf32>,
        %sub3A_123 = arith.subf %get3A_120, %get3A_122 : vector<16xf32>
        %add3A_124 = arith.addf %sub3A_123, %add3A_108 : vector<16xf32>
        %get3A_125 = arith.index_cast %mul3A_48 : i32 to index
        %get3A_126 = tpu.vector_load %arg20[%get3A_125] {strides = array<i32>} : memref<4000xf32, #tpu.memory_space<vmem>>, vector<16xf32>,
        %get3A_127 = arith.index_cast %mul3A_48 : i32 to index
        %get3A_128 = tpu.vector_load %arg23[%get3A_127] {strides = array<i32>} : memref<4000xf32, #tpu.memory_space<vmem>>, vector<16xf32>,
        %sub3A_129 = arith.subf %get3A_126, %get3A_128 : vector<16xf32>
        %add3A_130 = arith.addf %sub3A_129, %add3A_113 : vector<16xf32>
        %mul3A_131 = arith.mulf %add3A_118, %add3A_118 : vector<16xf32>
        %mul3A_132 = arith.mulf %add3A_124, %add3A_124 : vector<16xf32>
        %add3A_133 = arith.addf %mul3A_131, %mul3A_132 : vector<16xf32>
        %mul3A_134 = arith.mulf %add3A_130, %add3A_130 : vector<16xf32>
        %add3A_135 = arith.addf %add3A_133, %mul3A_134 : vector<16xf32>
        %swap3A = arith.index_cast %mul3A_48 : i32 to index
        %swap3A_136 = tpu.vector_load %arg24[%swap3A] {strides = array<i32>} : memref<4000xf32, #tpu.memory_space<vmem>>, vector<16xf32>,
        tpu.vector_store %arg24[%swap3A], %add3A_118 {strides = array<i32>} : memref<4000xf32, #tpu.memory_space<vmem>>, vector<16xf32>,
        %swap3A_137 = arith.index_cast %mul3A_48 : i32 to index
        %swap3A_138 = tpu.vector_load %arg25[%swap3A_137] {strides = array<i32>} : memref<4000xf32, #tpu.memory_space<vmem>>, vector<16xf32>,
        tpu.vector_store %arg25[%swap3A_137], %add3A_124 {strides = array<i32>} : memref<4000xf32, #tpu.memory_space<vmem>>, vector<16xf32>,
        %swap3A_139 = arith.index_cast %mul3A_48 : i32 to index
        %swap3A_140 = tpu.vector_load %arg26[%swap3A_139] {strides = array<i32>} : memref<4000xf32, #tpu.memory_space<vmem>>, vector<16xf32>,
        tpu.vector_store %arg26[%swap3A_139], %add3A_130 {strides = array<i32>} : memref<4000xf32, #tpu.memory_space<vmem>>, vector<16xf32>,
        %max3A = arith.constant 1.000000e-30 : f32
        %max3A_141 = vector.broadcast %max3A : f32 to vector<16xf32>
        %max3A_142 = arith.maximumf %add3A_135, %max3A_141 : vector<16xf32>
        %bitcast3A = vector.bitcast %max3A_142 : vector<16xf32> to vector<16xi32>
        %shift_right_arithmetic3A = arith.constant 1 : i32
        %shift_right_arithmetic3A_143 = vector.broadcast %shift_right_arithmetic3A : i32 to vector<16xi32>
        %shift_right_arithmetic3A_144 = arith.shrsi %bitcast3A, %shift_right_arithmetic3A_143 : vector<16xi32>
        %sub3A_145 = arith.constant 1597463007 : i32
        %sub3A_146 = vector.broadcast %sub3A_145 : i32 to vector<16xi32>
        %sub3A_147 = arith.subi %sub3A_146, %shift_right_arithmetic3A_144 : vector<16xi32>
        %bitcast3A_148 = vector.bitcast %sub3A_147 : vector<16xi32> to vector<16xf32>
        %mul3A_149 = arith.constant 5.000000e-01 : f32
        %mul3A_150 = vector.broadcast %mul3A_149 : f32 to vector<16xf32>
        %mul3A_151 = arith.mulf %mul3A_150, %max3A_142 : vector<16xf32>
        %mul3A_152 = arith.mulf %mul3A_151, %bitcast3A_148 : vector<16xf32>
        %mul3A_153 = arith.mulf %mul3A_152, %bitcast3A_148 : vector<16xf32>
        %sub3A_154 = arith.constant 1.500000e+00 : f32
        %sub3A_155 = vector.broadcast %sub3A_154 : f32 to vector<16xf32>
        %sub3A_156 = arith.subf %sub3A_155, %mul3A_153 : vector<16xf32>
        %mul3A_157 = arith.mulf %bitcast3A_148, %sub3A_156 : vector<16xf32>
        %mul3A_158 = arith.constant 5.000000e-01 : f32
        %mul3A_159 = vector.broadcast %mul3A_158 : f32 to vector<16xf32>
        %mul3A_160 = arith.mulf %mul3A_159, %max3A_142 : vector<16xf32>
        %mul3A_161 = arith.mulf %mul3A_160, %mul3A_157 : vector<16xf32>
        %mul3A_162 = arith.mulf %mul3A_161, %mul3A_157 : vector<16xf32>
        %sub3A_163 = arith.constant 1.500000e+00 : f32
        %sub3A_164 = vector.broadcast %sub3A_163 : f32 to vector<16xf32>
        %sub3A_165 = arith.subf %sub3A_164, %mul3A_162 : vector<16xf32>
        %mul3A_166 = arith.mulf %mul3A_157, %sub3A_165 : vector<16xf32>
        %mul3A_167 = arith.mulf %add3A_135, %mul3A_166 : vector<16xf32>
        %swap3A_168 = arith.index_cast %mul3A_48 : i32 to index
        %swap3A_169 = tpu.vector_load %arg27[%swap3A_168] {strides = array<i32>} : memref<4000xf32, #tpu.memory_space<vmem>>, vector<16xf32>,
        tpu.vector_store %arg27[%swap3A_168], %mul3A_167 {strides = array<i32>} : memref<4000xf32, #tpu.memory_space<vmem>>, vector<16xf32>,
      }
      %scan3A_45 = arith.constant 250 : i32
      "tpu.region"() ({
        %run_scoped3A = tpu.sem_alloc : memref<!tpu.dma_semaphore, #tpu.memory_space<semaphore_mem>>
        %dma_start3A_46 = tpu.memref_slice %arg10[%add3A_11] : memref<6400000xf32, #tpu.memory_space<hbm>> -> memref<4000xf32, #tpu.memory_space<hbm>>
        %dma_start3A_47 = tpu.memref_slice %arg10[%add3A_11] : memref<6400000xf32, #tpu.memory_space<hbm>> -> memref<4000xf32, #tpu.memory_space<hbm>>
        tpu.enqueue_dma source(%arg24 : memref<4000xf32, #tpu.memory_space<vmem>>) target(%dma_start3A_47 : memref<4000xf32, #tpu.memory_space<hbm>>) target_semaphore(%run_scoped3A : memref<!tpu.dma_semaphore, #tpu.memory_space<semaphore_mem>>)
        %dma_wait3A_48 = tpu.memref_slice %arg10[%add3A_11] : memref<6400000xf32, #tpu.memory_space<hbm>> -> memref<4000xf32, #tpu.memory_space<hbm>>
        %dma_wait3A_49 = tpu.memref_slice %arg10[%add3A_11] : memref<6400000xf32, #tpu.memory_space<hbm>> -> memref<4000xf32, #tpu.memory_space<hbm>>
        tpu.wait_dma2 semaphore(%run_scoped3A : memref<!tpu.dma_semaphore, #tpu.memory_space<semaphore_mem>>) src(%arg24 : memref<4000xf32, #tpu.memory_space<vmem>>) dst(%dma_wait3A_49 : memref<4000xf32, #tpu.memory_space<hbm>>)
        tpu.yield
      }) : () -> ()
      "tpu.region"() ({
        %run_scoped3A = tpu.sem_alloc : memref<!tpu.dma_semaphore, #tpu.memory_space<semaphore_mem>>
        %dma_start3A_46 = tpu.memref_slice %arg11[%add3A_11] : memref<6400000xf32, #tpu.memory_space<hbm>> -> memref<4000xf32, #tpu.memory_space<hbm>>
        %dma_start3A_47 = tpu.memref_slice %arg11[%add3A_11] : memref<6400000xf32, #tpu.memory_space<hbm>> -> memref<4000xf32, #tpu.memory_space<hbm>>
        tpu.enqueue_dma source(%arg25 : memref<4000xf32, #tpu.memory_space<vmem>>) target(%dma_start3A_47 : memref<4000xf32, #tpu.memory_space<hbm>>) target_semaphore(%run_scoped3A : memref<!tpu.dma_semaphore, #tpu.memory_space<semaphore_mem>>)
        %dma_wait3A_48 = tpu.memref_slice %arg11[%add3A_11] : memref<6400000xf32, #tpu.memory_space<hbm>> -> memref<4000xf32, #tpu.memory_space<hbm>>
        %dma_wait3A_49 = tpu.memref_slice %arg11[%add3A_11] : memref<6400000xf32, #tpu.memory_space<hbm>> -> memref<4000xf32, #tpu.memory_space<hbm>>
        tpu.wait_dma2 semaphore(%run_scoped3A : memref<!tpu.dma_semaphore, #tpu.memory_space<semaphore_mem>>) src(%arg25 : memref<4000xf32, #tpu.memory_space<vmem>>) dst(%dma_wait3A_49 : memref<4000xf32, #tpu.memory_space<hbm>>)
        tpu.yield
      }) : () -> ()
      "tpu.region"() ({
        %run_scoped3A = tpu.sem_alloc : memref<!tpu.dma_semaphore, #tpu.memory_space<semaphore_mem>>
        %dma_start3A_46 = tpu.memref_slice %arg12[%add3A_11] : memref<6400000xf32, #tpu.memory_space<hbm>> -> memref<4000xf32, #tpu.memory_space<hbm>>
        %dma_start3A_47 = tpu.memref_slice %arg12[%add3A_11] : memref<6400000xf32, #tpu.memory_space<hbm>> -> memref<4000xf32, #tpu.memory_space<hbm>>
        tpu.enqueue_dma source(%arg26 : memref<4000xf32, #tpu.memory_space<vmem>>) target(%dma_start3A_47 : memref<4000xf32, #tpu.memory_space<hbm>>) target_semaphore(%run_scoped3A : memref<!tpu.dma_semaphore, #tpu.memory_space<semaphore_mem>>)
        %dma_wait3A_48 = tpu.memref_slice %arg12[%add3A_11] : memref<6400000xf32, #tpu.memory_space<hbm>> -> memref<4000xf32, #tpu.memory_space<hbm>>
        %dma_wait3A_49 = tpu.memref_slice %arg12[%add3A_11] : memref<6400000xf32, #tpu.memory_space<hbm>> -> memref<4000xf32, #tpu.memory_space<hbm>>
        tpu.wait_dma2 semaphore(%run_scoped3A : memref<!tpu.dma_semaphore, #tpu.memory_space<semaphore_mem>>) src(%arg26 : memref<4000xf32, #tpu.memory_space<vmem>>) dst(%dma_wait3A_49 : memref<4000xf32, #tpu.memory_space<hbm>>)
        tpu.yield
      }) : () -> ()
      "tpu.region"() ({
        %run_scoped3A = tpu.sem_alloc : memref<!tpu.dma_semaphore, #tpu.memory_space<semaphore_mem>>
        %dma_start3A_46 = tpu.memref_slice %arg13[%add3A_11] : memref<6400000xf32, #tpu.memory_space<hbm>> -> memref<4000xf32, #tpu.memory_space<hbm>>
        %dma_start3A_47 = tpu.memref_slice %arg13[%add3A_11] : memref<6400000xf32, #tpu.memory_space<hbm>> -> memref<4000xf32, #tpu.memory_space<hbm>>
        tpu.enqueue_dma source(%arg27 : memref<4000xf32, #tpu.memory_space<vmem>>) target(%dma_start3A_47 : memref<4000xf32, #tpu.memory_space<hbm>>) target_semaphore(%run_scoped3A : memref<!tpu.dma_semaphore, #tpu.memory_space<semaphore_mem>>)
        %dma_wait3A_48 = tpu.memref_slice %arg13[%add3A_11] : memref<6400000xf32, #tpu.memory_space<hbm>> -> memref<4000xf32, #tpu.memory_space<hbm>>
        %dma_wait3A_49 = tpu.memref_slice %arg13[%add3A_11] : memref<6400000xf32, #tpu.memory_space<hbm>> -> memref<4000xf32, #tpu.memory_space<hbm>>
        tpu.wait_dma2 semaphore(%run_scoped3A : memref<!tpu.dma_semaphore, #tpu.memory_space<semaphore_mem>>) src(%arg27 : memref<4000xf32, #tpu.memory_space<vmem>>) dst(%dma_wait3A_49 : memref<4000xf32, #tpu.memory_space<hbm>>)
        tpu.yield
      }) : () -> ()
    }
    %scan3A_5 = arith.constant 50 : i32
    return
  }
}

#map = affine_map<(d0, d1) -> (0)>
module attributes {stable_mosaic.version = 14 : i64} {
  func.func @angle_k(%arg0: i32, %arg1: i32, %arg2: memref<6400000xf32, #tpu.memory_space<hbm>>, %arg3: memref<6400000xf32, #tpu.memory_space<hbm>>, %arg4: memref<6400000xf32, #tpu.memory_space<hbm>>, %arg5: memref<12800000xi32, #tpu.memory_space<hbm>>, %arg6: memref<12800000xi32, #tpu.memory_space<hbm>>, %arg7: memref<12800000xf32, #tpu.memory_space<hbm>>, %arg8: memref<8000xi32, #tpu.memory_space<vmem>>, %arg9: memref<8000xi32, #tpu.memory_space<vmem>>, %arg10: memref<8000xf32, #tpu.memory_space<vmem>>, %arg11: memref<8000xf32, #tpu.memory_space<vmem>>, %arg12: memref<8000xf32, #tpu.memory_space<vmem>>, %arg13: memref<8000xf32, #tpu.memory_space<vmem>>, %arg14: memref<8000xf32, #tpu.memory_space<vmem>>, %arg15: memref<8000xf32, #tpu.memory_space<vmem>>, %arg16: memref<8000xf32, #tpu.memory_space<vmem>>, %arg17: memref<!tpu.dma_semaphore, #tpu.memory_space<semaphore_mem>>) attributes {dimension_semantics = [#tpu.dimension_semantics<core_parallel>, #tpu.dimension_semantics<subcore_parallel>], iteration_bounds = array<i64: 2, 16>, scalar_prefetch = 0 : i64, scratch_operands = 10 : i64, tpu.core_type = #tpu.core_type<sc_vector_subcore>, window_params = [{transform_indices = #map}, {transform_indices = #map}, {transform_indices = #map}, {transform_indices = #map}, {transform_indices = #map}, {transform_indices = #map}]} {
    %mul3A = arith.constant 2 : i32
    %mul3A_0 = arith.muli %arg1, %mul3A : i32
    %add3A = arith.addi %mul3A_0, %arg0 : i32
    %scan3A = arith.constant 0 : i32
    %scan3A_1 = arith.constant 0 : i32
    %scan3A_2 = arith.constant 50 : i32
    %scan3A_3 = arith.addi %scan3A_1, %scan3A_2 : i32
    %scan3A_4 = arith.constant 1 : i32
    scf.for %scan3A_6 = %scan3A_1 to %scan3A_3 step %scan3A_4  : i32 {
      %mul3A_7 = arith.constant 400000 : i32
      %mul3A_8 = arith.muli %add3A, %mul3A_7 : i32
      %mul3A_9 = arith.constant 8000 : i32
      %mul3A_10 = arith.muli %scan3A_6, %mul3A_9 : i32
      %add3A_11 = arith.addi %mul3A_8, %mul3A_10 : i32
      "tpu.region"() ({
        %run_scoped3A = tpu.sem_alloc : memref<!tpu.dma_semaphore, #tpu.memory_space<semaphore_mem>>
        %dma_start3A_40 = tpu.memref_slice %arg5[%add3A_11] : memref<12800000xi32, #tpu.memory_space<hbm>> -> memref<8000xi32, #tpu.memory_space<hbm>>
        %dma_start3A_41 = tpu.memref_slice %arg5[%add3A_11] : memref<12800000xi32, #tpu.memory_space<hbm>> -> memref<8000xi32, #tpu.memory_space<hbm>>
        tpu.enqueue_dma source(%dma_start3A_41 : memref<8000xi32, #tpu.memory_space<hbm>>) target(%arg8 : memref<8000xi32, #tpu.memory_space<vmem>>) target_semaphore(%run_scoped3A : memref<!tpu.dma_semaphore, #tpu.memory_space<semaphore_mem>>)
        %dma_wait3A_42 = tpu.memref_slice %arg5[%add3A_11] : memref<12800000xi32, #tpu.memory_space<hbm>> -> memref<8000xi32, #tpu.memory_space<hbm>>
        %dma_wait3A_43 = tpu.memref_slice %arg5[%add3A_11] : memref<12800000xi32, #tpu.memory_space<hbm>> -> memref<8000xi32, #tpu.memory_space<hbm>>
        tpu.wait_dma2 semaphore(%run_scoped3A : memref<!tpu.dma_semaphore, #tpu.memory_space<semaphore_mem>>) src(%dma_wait3A_43 : memref<8000xi32, #tpu.memory_space<hbm>>) dst(%arg8 : memref<8000xi32, #tpu.memory_space<vmem>>)
        tpu.yield
      }) : () -> ()
      "tpu.region"() ({
        %run_scoped3A = tpu.sem_alloc : memref<!tpu.dma_semaphore, #tpu.memory_space<semaphore_mem>>
        %dma_start3A_40 = tpu.memref_slice %arg6[%add3A_11] : memref<12800000xi32, #tpu.memory_space<hbm>> -> memref<8000xi32, #tpu.memory_space<hbm>>
        %dma_start3A_41 = tpu.memref_slice %arg6[%add3A_11] : memref<12800000xi32, #tpu.memory_space<hbm>> -> memref<8000xi32, #tpu.memory_space<hbm>>
        tpu.enqueue_dma source(%dma_start3A_41 : memref<8000xi32, #tpu.memory_space<hbm>>) target(%arg9 : memref<8000xi32, #tpu.memory_space<vmem>>) target_semaphore(%run_scoped3A : memref<!tpu.dma_semaphore, #tpu.memory_space<semaphore_mem>>)
        %dma_wait3A_42 = tpu.memref_slice %arg6[%add3A_11] : memref<12800000xi32, #tpu.memory_space<hbm>> -> memref<8000xi32, #tpu.memory_space<hbm>>
        %dma_wait3A_43 = tpu.memref_slice %arg6[%add3A_11] : memref<12800000xi32, #tpu.memory_space<hbm>> -> memref<8000xi32, #tpu.memory_space<hbm>>
        tpu.wait_dma2 semaphore(%run_scoped3A : memref<!tpu.dma_semaphore, #tpu.memory_space<semaphore_mem>>) src(%dma_wait3A_43 : memref<8000xi32, #tpu.memory_space<hbm>>) dst(%arg9 : memref<8000xi32, #tpu.memory_space<vmem>>)
        tpu.yield
      }) : () -> ()
      %dma_start3A = arith.constant 0 : i32
      %dma_start3A_12 = tpu.memref_slice %arg2[%dma_start3A] : memref<6400000xf32, #tpu.memory_space<hbm>> -> memref<6400000xf32, #tpu.memory_space<hbm>>
      tpu.enqueue_indirect_dma source(%dma_start3A_12 : memref<6400000xf32, #tpu.memory_space<hbm>>) target(%arg10 : memref<8000xf32, #tpu.memory_space<vmem>>) offsets(%arg8 : memref<8000xi32, #tpu.memory_space<vmem>>) semaphore(%arg17 : memref<!tpu.dma_semaphore, #tpu.memory_space<semaphore_mem>>)
      %dma_start3A_13 = arith.constant 0 : i32
      %dma_start3A_14 = tpu.memref_slice %arg3[%dma_start3A_13] : memref<6400000xf32, #tpu.memory_space<hbm>> -> memref<6400000xf32, #tpu.memory_space<hbm>>
      tpu.enqueue_indirect_dma source(%dma_start3A_14 : memref<6400000xf32, #tpu.memory_space<hbm>>) target(%arg11 : memref<8000xf32, #tpu.memory_space<vmem>>) offsets(%arg8 : memref<8000xi32, #tpu.memory_space<vmem>>) semaphore(%arg17 : memref<!tpu.dma_semaphore, #tpu.memory_space<semaphore_mem>>)
      %dma_start3A_15 = arith.constant 0 : i32
      %dma_start3A_16 = tpu.memref_slice %arg4[%dma_start3A_15] : memref<6400000xf32, #tpu.memory_space<hbm>> -> memref<6400000xf32, #tpu.memory_space<hbm>>
      tpu.enqueue_indirect_dma source(%dma_start3A_16 : memref<6400000xf32, #tpu.memory_space<hbm>>) target(%arg12 : memref<8000xf32, #tpu.memory_space<vmem>>) offsets(%arg8 : memref<8000xi32, #tpu.memory_space<vmem>>) semaphore(%arg17 : memref<!tpu.dma_semaphore, #tpu.memory_space<semaphore_mem>>)
      %dma_start3A_17 = arith.constant 0 : i32
      %dma_start3A_18 = tpu.memref_slice %arg2[%dma_start3A_17] : memref<6400000xf32, #tpu.memory_space<hbm>> -> memref<6400000xf32, #tpu.memory_space<hbm>>
      tpu.enqueue_indirect_dma source(%dma_start3A_18 : memref<6400000xf32, #tpu.memory_space<hbm>>) target(%arg13 : memref<8000xf32, #tpu.memory_space<vmem>>) offsets(%arg9 : memref<8000xi32, #tpu.memory_space<vmem>>) semaphore(%arg17 : memref<!tpu.dma_semaphore, #tpu.memory_space<semaphore_mem>>)
      %dma_start3A_19 = arith.constant 0 : i32
      %dma_start3A_20 = tpu.memref_slice %arg3[%dma_start3A_19] : memref<6400000xf32, #tpu.memory_space<hbm>> -> memref<6400000xf32, #tpu.memory_space<hbm>>
      tpu.enqueue_indirect_dma source(%dma_start3A_20 : memref<6400000xf32, #tpu.memory_space<hbm>>) target(%arg14 : memref<8000xf32, #tpu.memory_space<vmem>>) offsets(%arg9 : memref<8000xi32, #tpu.memory_space<vmem>>) semaphore(%arg17 : memref<!tpu.dma_semaphore, #tpu.memory_space<semaphore_mem>>)
      %dma_start3A_21 = arith.constant 0 : i32
      %dma_start3A_22 = tpu.memref_slice %arg4[%dma_start3A_21] : memref<6400000xf32, #tpu.memory_space<hbm>> -> memref<6400000xf32, #tpu.memory_space<hbm>>
      tpu.enqueue_indirect_dma source(%dma_start3A_22 : memref<6400000xf32, #tpu.memory_space<hbm>>) target(%arg15 : memref<8000xf32, #tpu.memory_space<vmem>>) offsets(%arg9 : memref<8000xi32, #tpu.memory_space<vmem>>) semaphore(%arg17 : memref<!tpu.dma_semaphore, #tpu.memory_space<semaphore_mem>>)
      %dma_wait3A = arith.constant 0 : i32
      %dma_wait3A_23 = tpu.memref_slice %arg2[%dma_wait3A] : memref<6400000xf32, #tpu.memory_space<hbm>> -> memref<6400000xf32, #tpu.memory_space<hbm>>
      tpu.wait_indirect_dma semaphore(%arg17 : memref<!tpu.dma_semaphore, #tpu.memory_space<semaphore_mem>>) src(%dma_wait3A_23 : memref<6400000xf32, #tpu.memory_space<hbm>>) dst(%arg10 : memref<8000xf32, #tpu.memory_space<vmem>>)
      %dma_wait3A_24 = arith.constant 0 : i32
      %dma_wait3A_25 = tpu.memref_slice %arg3[%dma_wait3A_24] : memref<6400000xf32, #tpu.memory_space<hbm>> -> memref<6400000xf32, #tpu.memory_space<hbm>>
      tpu.wait_indirect_dma semaphore(%arg17 : memref<!tpu.dma_semaphore, #tpu.memory_space<semaphore_mem>>) src(%dma_wait3A_25 : memref<6400000xf32, #tpu.memory_space<hbm>>) dst(%arg11 : memref<8000xf32, #tpu.memory_space<vmem>>)
      %dma_wait3A_26 = arith.constant 0 : i32
      %dma_wait3A_27 = tpu.memref_slice %arg4[%dma_wait3A_26] : memref<6400000xf32, #tpu.memory_space<hbm>> -> memref<6400000xf32, #tpu.memory_space<hbm>>
      tpu.wait_indirect_dma semaphore(%arg17 : memref<!tpu.dma_semaphore, #tpu.memory_space<semaphore_mem>>) src(%dma_wait3A_27 : memref<6400000xf32, #tpu.memory_space<hbm>>) dst(%arg12 : memref<8000xf32, #tpu.memory_space<vmem>>)
      %dma_wait3A_28 = arith.constant 0 : i32
      %dma_wait3A_29 = tpu.memref_slice %arg2[%dma_wait3A_28] : memref<6400000xf32, #tpu.memory_space<hbm>> -> memref<6400000xf32, #tpu.memory_space<hbm>>
      tpu.wait_indirect_dma semaphore(%arg17 : memref<!tpu.dma_semaphore, #tpu.memory_space<semaphore_mem>>) src(%dma_wait3A_29 : memref<6400000xf32, #tpu.memory_space<hbm>>) dst(%arg13 : memref<8000xf32, #tpu.memory_space<vmem>>)
      %dma_wait3A_30 = arith.constant 0 : i32
      %dma_wait3A_31 = tpu.memref_slice %arg3[%dma_wait3A_30] : memref<6400000xf32, #tpu.memory_space<hbm>> -> memref<6400000xf32, #tpu.memory_space<hbm>>
      tpu.wait_indirect_dma semaphore(%arg17 : memref<!tpu.dma_semaphore, #tpu.memory_space<semaphore_mem>>) src(%dma_wait3A_31 : memref<6400000xf32, #tpu.memory_space<hbm>>) dst(%arg14 : memref<8000xf32, #tpu.memory_space<vmem>>)
      %dma_wait3A_32 = arith.constant 0 : i32
      %dma_wait3A_33 = tpu.memref_slice %arg4[%dma_wait3A_32] : memref<6400000xf32, #tpu.memory_space<hbm>> -> memref<6400000xf32, #tpu.memory_space<hbm>>
      tpu.wait_indirect_dma semaphore(%arg17 : memref<!tpu.dma_semaphore, #tpu.memory_space<semaphore_mem>>) src(%dma_wait3A_33 : memref<6400000xf32, #tpu.memory_space<hbm>>) dst(%arg15 : memref<8000xf32, #tpu.memory_space<vmem>>)
      %scan3A_34 = arith.constant 0 : i32
      %scan3A_35 = arith.constant 0 : i32
      %scan3A_36 = arith.constant 500 : i32
      %scan3A_37 = arith.addi %scan3A_35, %scan3A_36 : i32
      %scan3A_38 = arith.constant 1 : i32
      scf.for %scan3A_40 = %scan3A_35 to %scan3A_37 step %scan3A_38  : i32 {
        %mul3A_41 = arith.constant 16 : i32
        %mul3A_42 = arith.muli %scan3A_40, %mul3A_41 : i32
        %get3A = arith.index_cast %mul3A_42 : i32 to index
        %get3A_43 = tpu.vector_load %arg10[%get3A] {strides = array<i32>} : memref<8000xf32, #tpu.memory_space<vmem>>, vector<16xf32>,
        %get3A_44 = arith.index_cast %mul3A_42 : i32 to index
        %get3A_45 = tpu.vector_load %arg11[%get3A_44] {strides = array<i32>} : memref<8000xf32, #tpu.memory_space<vmem>>, vector<16xf32>,
        %get3A_46 = arith.index_cast %mul3A_42 : i32 to index
        %get3A_47 = tpu.vector_load %arg12[%get3A_46] {strides = array<i32>} : memref<8000xf32, #tpu.memory_space<vmem>>, vector<16xf32>,
        %get3A_48 = arith.index_cast %mul3A_42 : i32 to index
        %get3A_49 = tpu.vector_load %arg13[%get3A_48] {strides = array<i32>} : memref<8000xf32, #tpu.memory_space<vmem>>, vector<16xf32>,
        %get3A_50 = arith.index_cast %mul3A_42 : i32 to index
        %get3A_51 = tpu.vector_load %arg14[%get3A_50] {strides = array<i32>} : memref<8000xf32, #tpu.memory_space<vmem>>, vector<16xf32>,
        %get3A_52 = arith.index_cast %mul3A_42 : i32 to index
        %get3A_53 = tpu.vector_load %arg15[%get3A_52] {strides = array<i32>} : memref<8000xf32, #tpu.memory_space<vmem>>, vector<16xf32>,
        %mul3A_54 = arith.mulf %get3A_43, %get3A_49 : vector<16xf32>
        %mul3A_55 = arith.mulf %get3A_45, %get3A_51 : vector<16xf32>
        %add3A_56 = arith.addf %mul3A_54, %mul3A_55 : vector<16xf32>
        %mul3A_57 = arith.mulf %get3A_47, %get3A_53 : vector<16xf32>
        %add3A_58 = arith.addf %add3A_56, %mul3A_57 : vector<16xf32>
        %mul3A_59 = arith.mulf %get3A_45, %get3A_53 : vector<16xf32>
        %mul3A_60 = arith.mulf %get3A_47, %get3A_51 : vector<16xf32>
        %sub3A = arith.subf %mul3A_59, %mul3A_60 : vector<16xf32>
        %mul3A_61 = arith.mulf %get3A_47, %get3A_49 : vector<16xf32>
        %mul3A_62 = arith.mulf %get3A_43, %get3A_53 : vector<16xf32>
        %sub3A_63 = arith.subf %mul3A_61, %mul3A_62 : vector<16xf32>
        %mul3A_64 = arith.mulf %get3A_43, %get3A_51 : vector<16xf32>
        %mul3A_65 = arith.mulf %get3A_45, %get3A_49 : vector<16xf32>
        %sub3A_66 = arith.subf %mul3A_64, %mul3A_65 : vector<16xf32>
        %mul3A_67 = arith.mulf %sub3A, %sub3A : vector<16xf32>
        %mul3A_68 = arith.mulf %sub3A_63, %sub3A_63 : vector<16xf32>
        %add3A_69 = arith.addf %mul3A_67, %mul3A_68 : vector<16xf32>
        %mul3A_70 = arith.mulf %sub3A_66, %sub3A_66 : vector<16xf32>
        %add3A_71 = arith.addf %add3A_69, %mul3A_70 : vector<16xf32>
        %max3A = arith.constant 1.000000e-30 : f32
        %max3A_72 = vector.broadcast %max3A : f32 to vector<16xf32>
        %max3A_73 = arith.maximumf %add3A_71, %max3A_72 : vector<16xf32>
        %bitcast3A = vector.bitcast %max3A_73 : vector<16xf32> to vector<16xi32>
        %shift_right_arithmetic3A = arith.constant 1 : i32
        %shift_right_arithmetic3A_74 = vector.broadcast %shift_right_arithmetic3A : i32 to vector<16xi32>
        %shift_right_arithmetic3A_75 = arith.shrsi %bitcast3A, %shift_right_arithmetic3A_74 : vector<16xi32>
        %sub3A_76 = arith.constant 1597463007 : i32
        %sub3A_77 = vector.broadcast %sub3A_76 : i32 to vector<16xi32>
        %sub3A_78 = arith.subi %sub3A_77, %shift_right_arithmetic3A_75 : vector<16xi32>
        %bitcast3A_79 = vector.bitcast %sub3A_78 : vector<16xi32> to vector<16xf32>
        %mul3A_80 = arith.constant 5.000000e-01 : f32
        %mul3A_81 = vector.broadcast %mul3A_80 : f32 to vector<16xf32>
        %mul3A_82 = arith.mulf %mul3A_81, %max3A_73 : vector<16xf32>
        %mul3A_83 = arith.mulf %mul3A_82, %bitcast3A_79 : vector<16xf32>
        %mul3A_84 = arith.mulf %mul3A_83, %bitcast3A_79 : vector<16xf32>
        %sub3A_85 = arith.constant 1.500000e+00 : f32
        %sub3A_86 = vector.broadcast %sub3A_85 : f32 to vector<16xf32>
        %sub3A_87 = arith.subf %sub3A_86, %mul3A_84 : vector<16xf32>
        %mul3A_88 = arith.mulf %bitcast3A_79, %sub3A_87 : vector<16xf32>
        %mul3A_89 = arith.constant 5.000000e-01 : f32
        %mul3A_90 = vector.broadcast %mul3A_89 : f32 to vector<16xf32>
        %mul3A_91 = arith.mulf %mul3A_90, %max3A_73 : vector<16xf32>
        %mul3A_92 = arith.mulf %mul3A_91, %mul3A_88 : vector<16xf32>
        %mul3A_93 = arith.mulf %mul3A_92, %mul3A_88 : vector<16xf32>
        %sub3A_94 = arith.constant 1.500000e+00 : f32
        %sub3A_95 = vector.broadcast %sub3A_94 : f32 to vector<16xf32>
        %sub3A_96 = arith.subf %sub3A_95, %mul3A_93 : vector<16xf32>
        %mul3A_97 = arith.mulf %mul3A_88, %sub3A_96 : vector<16xf32>
        %mul3A_98 = arith.mulf %add3A_71, %mul3A_97 : vector<16xf32>
        %abs3A = math.absf %add3A_58 : vector<16xf32>
        %min3A = arith.minimumf %mul3A_98, %abs3A : vector<16xf32>
        %max3A_99 = arith.maximumf %mul3A_98, %abs3A : vector<16xf32>
        %max3A_100 = arith.constant 1.000000e-30 : f32
        %max3A_101 = vector.broadcast %max3A_100 : f32 to vector<16xf32>
        %max3A_102 = arith.maximumf %max3A_99, %max3A_101 : vector<16xf32>
        %div3A = arith.divf %min3A, %max3A_102 : vector<16xf32>
        %mul3A_103 = arith.mulf %div3A, %div3A : vector<16xf32>
        %mul3A_104 = arith.constant -1.172120e-02 : f32
        %mul3A_105 = vector.broadcast %mul3A_104 : f32 to vector<16xf32>
        %mul3A_106 = arith.mulf %mul3A_105, %mul3A_103 : vector<16xf32>
        %add3A_107 = arith.constant 0.0526533201 : f32
        %add3A_108 = vector.broadcast %add3A_107 : f32 to vector<16xf32>
        %add3A_109 = arith.addf %mul3A_106, %add3A_108 : vector<16xf32>
        %mul3A_110 = arith.mulf %add3A_109, %mul3A_103 : vector<16xf32>
        %add3A_111 = arith.constant -0.116432868 : f32
        %add3A_112 = vector.broadcast %add3A_111 : f32 to vector<16xf32>
        %add3A_113 = arith.addf %mul3A_110, %add3A_112 : vector<16xf32>
        %mul3A_114 = arith.mulf %add3A_113, %mul3A_103 : vector<16xf32>
        %add3A_115 = arith.constant 0.193543464 : f32
        %add3A_116 = vector.broadcast %add3A_115 : f32 to vector<16xf32>
        %add3A_117 = arith.addf %mul3A_114, %add3A_116 : vector<16xf32>
        %mul3A_118 = arith.mulf %add3A_117, %mul3A_103 : vector<16xf32>
        %add3A_119 = arith.constant -0.332623482 : f32
        %add3A_120 = vector.broadcast %add3A_119 : f32 to vector<16xf32>
        %add3A_121 = arith.addf %mul3A_118, %add3A_120 : vector<16xf32>
        %mul3A_122 = arith.mulf %add3A_121, %mul3A_103 : vector<16xf32>
        %add3A_123 = arith.constant 0.999977231 : f32
        %add3A_124 = vector.broadcast %add3A_123 : f32 to vector<16xf32>
        %add3A_125 = arith.addf %mul3A_122, %add3A_124 : vector<16xf32>
        %mul3A_126 = arith.mulf %add3A_125, %div3A : vector<16xf32>
        %gt3A = arith.cmpf ogt, %mul3A_98, %abs3A : vector<16xf32>
        %sub3A_127 = arith.constant 1.57079637 : f32
        %sub3A_128 = vector.broadcast %sub3A_127 : f32 to vector<16xf32>
        %sub3A_129 = arith.subf %sub3A_128, %mul3A_126 : vector<16xf32>
        %select_n3A = arith.select %gt3A, %sub3A_129, %mul3A_126 : vector<16xi1>, vector<16xf32>
        %lt3A = arith.constant 0.000000e+00 : f32
        %lt3A_130 = vector.broadcast %lt3A : f32 to vector<16xf32>
        %lt3A_131 = arith.cmpf olt, %add3A_58, %lt3A_130 : vector<16xf32>
        %sub3A_132 = arith.constant 3.14159274 : f32
        %sub3A_133 = vector.broadcast %sub3A_132 : f32 to vector<16xf32>
        %sub3A_134 = arith.subf %sub3A_133, %select_n3A : vector<16xf32>
        %select_n3A_135 = arith.select %lt3A_131, %sub3A_134, %select_n3A : vector<16xi1>, vector<16xf32>
        %swap3A = arith.index_cast %mul3A_42 : i32 to index
        %swap3A_136 = tpu.vector_load %arg16[%swap3A] {strides = array<i32>} : memref<8000xf32, #tpu.memory_space<vmem>>, vector<16xf32>,
        tpu.vector_store %arg16[%swap3A], %select_n3A_135 {strides = array<i32>} : memref<8000xf32, #tpu.memory_space<vmem>>, vector<16xf32>,
      }
      %scan3A_39 = arith.constant 500 : i32
      "tpu.region"() ({
        %run_scoped3A = tpu.sem_alloc : memref<!tpu.dma_semaphore, #tpu.memory_space<semaphore_mem>>
        %dma_start3A_40 = tpu.memref_slice %arg7[%add3A_11] : memref<12800000xf32, #tpu.memory_space<hbm>> -> memref<8000xf32, #tpu.memory_space<hbm>>
        %dma_start3A_41 = tpu.memref_slice %arg7[%add3A_11] : memref<12800000xf32, #tpu.memory_space<hbm>> -> memref<8000xf32, #tpu.memory_space<hbm>>
        tpu.enqueue_dma source(%arg16 : memref<8000xf32, #tpu.memory_space<vmem>>) target(%dma_start3A_41 : memref<8000xf32, #tpu.memory_space<hbm>>) target_semaphore(%run_scoped3A : memref<!tpu.dma_semaphore, #tpu.memory_space<semaphore_mem>>)
        %dma_wait3A_42 = tpu.memref_slice %arg7[%add3A_11] : memref<12800000xf32, #tpu.memory_space<hbm>> -> memref<8000xf32, #tpu.memory_space<hbm>>
        %dma_wait3A_43 = tpu.memref_slice %arg7[%add3A_11] : memref<12800000xf32, #tpu.memory_space<hbm>> -> memref<8000xf32, #tpu.memory_space<hbm>>
        tpu.wait_dma2 semaphore(%run_scoped3A : memref<!tpu.dma_semaphore, #tpu.memory_space<semaphore_mem>>) src(%arg16 : memref<8000xf32, #tpu.memory_space<vmem>>) dst(%dma_wait3A_43 : memref<8000xf32, #tpu.memory_space<hbm>>)
        tpu.yield
      }) : () -> ()
    }
    %scan3A_5 = arith.constant 50 : i32
    return
  }
}

</mosaic_0001>

<sc_bundles>
// kernel: kernel.4.cloned.1.call-start
scs
__scs_entry_jumppad:
0x0: {  	(pc) =	sbr.rel $0x88, $3  }
0x1: {  	(tag) =	ssettag $0x0;
	lr =	simm.s32 $0x1  }
0x2: {  	[smem:$0x3F9A] =	sst lr;
	_ =	strace $0xD0000000  }
0x3: {  	_ = 	snop  }
0x4: {  	_ = 	snop  }
0x5: {  	_ = 	snop  }
0x6: {  	_ = 	snop  }
0x7: {  	_ = 	snop  }
__scs_overlays_trampoline_lowered:
0x8: {  	[smem:$0x3FA9] =	sst s0  }
0x9: {  	[smem:$0x3FAA] =	sst s1  }
0xa: {  	[smem:$0x3FAB] =	sst s2  }
0xb: {  	[smem:$0x3FAC] =	sst s3  }
0xc: {  	[smem:$0x3FAD] =	sst s4  }
0xd: {  	[smem:$0x3FAE] =	sst s5  }
0xe: {  	[smem:$0x3FAF] =	sst s6  }
0xf: {  	[smem:$0x3FB0] =	sst s7  }
0x10: {  	[smem:$0x3FB1] =	sst s8  }
0x11: {  	[smem:$0x3FB2] =	sst s9;
	s0 =	simm.s32 @!p0 $0x0  }
0x12: {  	s1 =	sld [smem:$0x3F98];
	s0 =	simm.s32 @p0 $0x1  }
0x13: {  	[smem:$0x3FB3] =	sst s0;
	s0 =	simm.s32 @!p1 $0x0  }
0x14: {  	s2 =	sld [smem:$0x3F97];
	s0 =	simm.s32 @p1 $0x1  }
0x15: {  	[smem:$0x3FB4] =	sst s0;
	s0 =	simm.s32 @!p2 $0x0  }
0x16: {  	s3 =	sld [smem:$0x3FDB];
	s0 =	simm.s32 @p2 $0x1  }
0x17: {  	s4 =	simm.s32 $0x1BF5;
	[smem:$0x3FB6] =	sst s0  }
0x18: {  	s0 =	sld [smem:$0x3F99];
	_ =	swait.ge [sflag:s4], $0x0  }
0x19: {  	s7 =	sld [smem:$0x3F9A]  }
0x1a: {  	s8 =	sadd.s32 $0xFFFFE003, lr  }
0x1b: {  	s9 =	sadd.s32 $0xFFFFFEF7, lr;
	s5 =	simm.s32 $0xFFFFFFFF;
	p2 =	slt.u32 s8, $0xFFFFF086  }
0x1c: {  	p1 =	slt.u32 s9, $0xF7A;
	s5 =	simm.s32 @!p2 $0x0  }
0x1d: {  	s5 =	simm.s32 @p1 $0x1;
	p0 =	seq.s32 s7, s2  }
0x1e: {  	s7 =	smul.u32 @!p0 $0xF7A, s2;
	p2 =	seq.s32 @!p0 s5, $0x0  }
0x1f: {  	s9 =	smul.u32 $0xF7A, s1;
	s8 =	simm.s32 @!p0 $0x1BF5;
	p2 =	por !p2, p0  }
0x20: {  	[sflag:s8] =	ssyncset.s32 @!p0 $0xFFFFF086;
	s6 =	sadd.s32 @!p0 s3, s7;
	s7 =	simm.s32 @!p0 $0x108  }
0x21: {  	s3 =	sadd.s32 s3, s9;
	s6 =	sadd.s32 @!p0 $0x88, s6;
	s7 =	simm.s32 @p2 $0x1082  }
0x22: {  	[simem:s7], [sflag:s8] =	dma.local @!p0 [hbm:s6], $0xF7A  }
0x23: {  	s9 =	sor.u32 $0xD0000000, s2;
	s6 =	simm.s32 $0x108;
	_ =	swait.ge @!p0 [sflag:s8], $0x0  }
0x24: {  	s3 =	sadd.s32 $0x88, s3;
	s6 =	simm.s32 @!p1 $0x1082;
	[sflag:s4] =	ssyncset.s32 $0xFFFFF086  }
0x25: {  	[simem:s6], [sflag:s4] =	dma.local [hbm:s3], $0xF7A  }
0x26: {  	[smem:$0x3F9A] =	sst s1;
	(tag) =	ssettag s2;
	_ =	strace s9  }
0x27: {  	s1 =	sld [smem:$0x3FAA]  }
0x28: {  	s2 =	sld [smem:$0x3FAB]  }
0x29: {  	s4 =	sld [smem:$0x3FAD]  }
0x2a: {  	p0 =	seq.s32 s5, $0x0;
	s5 =	sld [smem:$0x3FAE]  }
0x2b: {  	s6 =	sld [smem:$0x3FAF]  }
0x2c: {  	s7 =	sld [smem:$0x3FB0]  }
0x2d: {  	s3 =	simm.s32 $0x108;
	s8 =	sld [smem:$0x3FB1]  }
0x2e: {  	s3 =	simm.s32 @!p0 $0x1082;
	s9 =	sld [smem:$0x3FB2]  }
0x2f: {  	lr =	sadd.s32 s0, s3;
	s0 =	sld [smem:$0x3FA9]  }
0x30: {  	s3 =	sld [smem:$0x3FAC]  }
0x31: {  	[smem:$0x3FB5] =	sst s10  }
0x32: {  	s10 =	sld [smem:$0x3FB3];
	_ =	sdelay $0x3  }
0x33: {  	p0 =	seq.s32 s10, $0x1;
	s10 =	sld [smem:$0x3FB5];
	_ =	sdelay $0x3  }
0x34: {  	[smem:$0x3FB5] =	sst s10  }
0x35: {  	s10 =	sld [smem:$0x3FB4];
	_ =	sdelay $0x3  }
0x36: {  	p1 =	seq.s32 s10, $0x1;
	s10 =	sld [smem:$0x3FB5];
	_ =	sdelay $0x3  }
0x37: {  	[smem:$0x3FB5] =	sst s10  }
0x38: {  	s10 =	sld [smem:$0x3FB6]  }
0x39: {  	_ = 	snop;
	(pc) =	sbr.ind lr, $3  }
0x3a: {  	_ = 	snop  }
0x3b: {  	_ = 	snop  }
0x3c: {  	p2 =	seq.s32 s10, $0x1;
	s10 =	sld [smem:$0x3FB5]  }
0x3d: {  	_ =	shalt  }
0x3e: {  	_ =	shalt  }
0x3f: {  	_ =	shalt  }
0x40: {  	_ =	shalt  }
0x41: {  	_ =	shalt  }
0x42: {  	_ =	shalt  }
0x43: {  	_ =	shalt  }
0x44: {  	_ =	shalt  }
0x45: {  	_ =	shalt  }
0x46: {  	_ =	shalt  }
0x47: {  	_ =	shalt  }
0x48: {  	_ =	shalt  }
0x49: {  	_ =	shalt  }
0x4a: {  	_ =	shalt  }
0x4b: {  	_ =	shalt  }
0x4c: {  	_ =	shalt  }
0x4d: {  	_ =	shalt  }
0x4e: {  	_ =	shalt  }
0x4f: {  	_ =	shalt  }
0x50: {  	_ =	shalt  }
0x51: {  	_ =	shalt  }
0x52: {  	_ =	shalt  }
0x53: {  	_ =	shalt  }
0x54: {  	_ =	shalt  }
0x55: {  	_ =	shalt  }
0x56: {  	_ =	shalt  }
0x57: {  	_ =	shalt  }
0x58: {  	_ =	shalt  }
0x59: {  	_ =	shalt  }
0x5a: {  	_ =	shalt  }
0x5b: {  	_ =	shalt  }
0x5c: {  	_ =	shalt  }
0x5d: {  	_ =	shalt  }
0x5e: {  	_ =	shalt  }
0x5f: {  	_ =	shalt  }
0x60: {  	_ =	shalt  }
0x61: {  	_ =	shalt  }
0x62: {  	_ =	shalt  }
0x63: {  	_ =	shalt  }
0x64: {  	_ =	shalt  }
0x65: {  	_ =	shalt  }
0x66: {  	_ =	shalt  }
0x67: {  	_ =	shalt  }
0x68: {  	_ =	shalt  }
0x69: {  	_ =	shalt  }
0x6a: {  	_ =	shalt  }
0x6b: {  	_ =	shalt  }
0x6c: {  	_ =	shalt  }
0x6d: {  	_ =	shalt  }
0x6e: {  	_ =	shalt  }
0x6f: {  	_ =	shalt  }
0x70: {  	_ =	shalt  }
0x71: {  	_ =	shalt  }
0x72: {  	_ =	shalt  }
0x73: {  	_ =	shalt  }
0x74: {  	_ =	shalt  }
0x75: {  	_ =	shalt  }
0x76: {  	_ =	shalt  }
0x77: {  	_ =	shalt  }
0x78: {  	_ =	shalt  }
0x79: {  	_ =	shalt  }
0x7a: {  	_ =	shalt  }
0x7b: {  	_ =	shalt  }
0x7c: {  	_ =	shalt  }
0x7d: {  	_ =	shalt  }
0x7e: {  	_ =	shalt  }
0x7f: {  	_ =	shalt  }
0x80: {  	_ =	shalt  }
0x81: {  	_ =	shalt  }
0x82: {  	_ =	shalt  }
0x83: {  	_ =	shalt  }
0x84: {  	_ =	shalt  }
0x85: {  	_ =	shalt  }
0x86: {  	_ =	shalt  }
0x87: {  	_ =	shalt  }
.Lfunc_end0:
.L_simem_size_0:
called_computation_lowered:
.L_overlay_start_0:
0x88: {  	s2 =	sld [smem:$0x3FD9]  }
0x89: {  	s3 =	sld [smem:$0x3FFE];
	_ =	sdelay $0x1  }
0x8a: {  	s1 =	srdreg.scid  }
0x8b: {  	s0 =	sand.u32 $0x1, s1  }
0x8c: {  	s14 =	sshll.u32 s0, $0xA;
	s2 =	sadd.s32 s3, s2  }
0x8d: {  	s2 =	sadd.s32 s2, s14  }
0x8e: {  	[smem:$0x3FC1] =	sst s2  }
0x8f: {  	_ = 	snop  }
0x90: {  	s2 =	sld [smem:$0x3FD0];
	_ =	sdelay $0x2  }
0x91: {  	s4 =	simm.s32 $0xA;
	s5 =	simm.s32 $0x10;
	s15 =	sld [smem:$0x3FC5]  }
0x92: {  	[smem:s5], [sflag:s4] =	dma.local [hbm:s2], $0x1  }
0x93: {  	_ =	swait.eq [sflag:s4], $0x1  }
0x94: {  	[sflag:s4] =	ssyncset.done $0x0  }
0x95: {  	s16 =	sld [smem:$0x10];
	[sflag:s4] =	ssyncadd.s32 $0xFFFFFFFF  }
0x96: {  	s17 =	sld [smem:$0x11];
	(tm) =	ssettm $0x1  }
0x97: {  	s18 =	sld [smem:$0x3FFB];
	_ =	sdelay $0x3  }
0x98: {  	_ =	strace s18  }
0x99: {  	s5 =	sld [smem:$0x3FFC];
	_ =	sdelay $0x3  }
0x9a: {  	_ =	strace s5  }
0x9b: {  	s5 =	sld [smem:$0x3FFD];
	_ =	sdelay $0x3  }
0x9c: {  	_ =	strace s5  }
0x9d: {  	_ =	strace $0x8FFFFFFF  }
0x9e: {  	s19 =	sld [smem:$0x3FDB];
	_ =	sdelay $0x1  }
0x9f: {  	s6 =	simm.s32 $_scs_section_size  }
0xa0: {  	s7 =	simm.s32 $_size__tile_overlayer_lowered;
	s8 =	simm.s32 $_tile_overlayer_lowered  }
0xa1: {  	s22 =	simm.s32 $0x1BFF;
	s21 =	sshll.u32 s8, $0x1;
	s5 =	sadd.s32 s6, s19  }
0xa2: {  	s9 =	simm.s32 $0x0;
	s20 =	sshll.u32 s7, $0x1;
	s7 =	sadd.s32 s21, s5  }
0xa3: {  	[timem:s9], [sflag:s22] =	dma.local [hbm:s7], s20  }
0xa4: {  	_ =	swait.ge [sflag:s22], s20  }
0xa5: {  	s6 =	ssub.s32 $0x0, s20;
	[sflag:s22] =	ssyncset.done $0x0  }
0xa6: {  	[sflag:s22] =	ssyncadd.s32 s6;
	_ =	sdelay $0x1  }
0xa7: {  	s23 =	simm.s32 $0x1B8B  }
0xa8: {  	_ =	swait.ge [sflag:s23], $0x1  }
0xa9: {  	[sflag:s23] =	ssyncset.done $0x0  }
0xaa: {  	s25 =	simm.s32 $0x1B8E;
	s24 =	sld [smem:$0x3FFE];
	[sflag:s23] =	ssyncadd.s32 $0xFFFFFFFF  }
0xab: {  	s26 =	simm.s32 $execute0_lowered;
	[smem:$0x3FD2] =	sst s25  }
0xac: {  	s7 =	sshll.u32 s26, $0x1;
	_ =	strace $0x80000046;
	[dreg:$0x1] =	wrdreg $0xFFFFFFFF  }
0xad: {  	s28 =	simm.s32 $_size_execute0_lowered;
	s5 =	sadd.s32 s5, s7;
	[dreg:$0x0] =	wrdreg $0x0  }
0xae: {  	s7 =	sshll.u32 s28, $0x1;
	[dreg:$0x2] =	wrdreg s5  }
0xaf: {  	[dreg:$0x3] =	wrdreg s7  }
0xb0: {  	[dreg:$0x4] =	wrdreg $0xC0  }
0xb1: {  	_ =	task [dreg:s9], $0x5FFFF  }
0xb2: {  	[dreg:$0x1] =	wrdreg $0xFFFFFFFF  }
0xb3: {  	[dreg:$0x0] =	wrdreg $0x60  }
0xb4: {  	[dreg:$0x2] =	wrdreg s24  }
0xb5: {  	[dreg:$0x3] =	wrdreg s17  }
0xb6: {  	[dreg:$0x4] =	wrdreg s15  }
0xb7: {  	[dreg:$0x5] =	wrdreg s16  }
0xb8: {  	[dreg:$0x6] =	wrdreg $0x9  }
0xb9: {  	_ =	task.clear_ibuf [dreg:s9], $0x7FFFF;
	_ =	strace $0x90000046  }
0xba: {  	s29 =	simm.s32 $0x9;
	_ =	strace $0x80000048  }
0xbb: {  	_ =	swait.ge [sflag:s29], $0x1  }
0xbc: {  	[sflag:s29] =	ssyncadd.s32 $0xFFFFFFFF  }
0xbd: {  	_ =	strace $0x90000048  }
0xbe: {  	_ =	sfence  }
0xbf: {  	s30 =	sld [smem:$0x0];
	_ =	sdelay $0x2  }
0xc0: {  	s31 =	sshll.u32 s1, $0xD;
	s1 =	sshrl.u32 s1, $0x2  }
0xc1: {  	s3 =	sand.u32 $0x4000, s31;
	s1 =	sadd.s32 s1, s30  }
0xc2: {  	s0 =	sor.u32 s3, s0;
	s1 =	sshll.u32 s1, $0x11  }
0xc3: {  	s0 =	sor.u32 s1, s0  }
0xc4: {  	s0 =	sadd.s32 $0x8F2B, s0  }
0xc5: {  	[sflag:s0] =	ssyncadd.remote.s32 $0x1  }
0xc6: {  	_ =	sfence.sel $0xFFFF  }
0xc7: {  	[dreg:$0x0] =	wrdreg $0xFFFFFFFF;
	(pc) =	sbr.abs _section_cstart, $3  }
0xc8: {  	[dreg:$0x1] =	wrdreg $0xFFFFFFFF  }
0xc9: {  	_ =	task.clear_ibuf [dreg:s9], $0x2FFFF;
	_ =	strace $0x9FFFFFFF  }
0xca: {  	(tm) =	ssettm $0x7FFFFFFF  }
0xcb: {  	_ =	shalt  }
tec
execute0_lowered:
.L_overlay_start_1:
0x0: {  	(tag) =	ssettag $0x1  }
0x1: {  	s0 =	rddreg [dreg:$0x0]  }
0x2: {  	s4 =	simm.s32 $0x0;
	s1 =	srdreg.scid;
	s8 =	stileid.u32  }
0x3: {  	s17 =	simm.s32 $0xFF00;
	s18 =	simm.s32 $0x2;
	s19 =	simm.s32 $0x1000  }
0x4: {  	s20 =	simm.s32 $0x3000;
	s21 =	simm.s32 $0xFA0;
	s28 =	simm.s32 $0xAF00  }
0x5: {  	s29 =	simm.s32 $0x2000;
	s30 =	simm.s32 $0x1;
	s31 =	simm.s32 $0xBF00  }
0x6: {  	s11 =	simm.s32 $0xEF00;
	[smem:$0x7FF] =	sst s4;
	s5 =	sadd.s32 $0x400, s0  }
0x7: {  	s6 =	sadd.s32 $0x626BA00, s0;
	s7 =	sadd.s32 $0xC9E00, s0;
	s9 =	sadd.s32 $0xC6C00, s0  }
0x8: {  	s10 =	sadd.s32 $0xC3A00, s0;
	s1 =	sand.u32 $0x1, s1;
	s2 =	sadd.s32 $0xCD000, s0  }
0x9: {  	s12 =	sadd.s32 $0xCD200, s0;
	s8 =	sshll.u32 s8, $0x1;
	s13 =	sadd.s32 $0x190800, s0  }
0xa: {  	s14 =	sadd.s32 $0x253E00, s0;
	s0 =	simm.s32 $0xCF00;
	s25 =	ssub.s32 $0x2, s1  }
0xb: {  	v0 =	vlaneseq.u32;
	_ =	strace $0x80000047;
	[dreg:$0x5] =	wrdreg s2;
	s3 =	sshrl.u32 s25, $0x1  }
0xc: {  	v0 =	vmul.u32 $0x3, v0;
	s1 =	sor.u32 s1, s8;
	s8 =	simm.s32 $0xDF00;
	s2 =	ssub.s32 s25, s3  }
0xd: {  	s15 =	smul.u32 $0x30D40, s1;
	s25 =	simm.s32 $0x8F00;
	s26 =	smax.u32 s2, $0x1  }
0xe: {  	v1 =	vadd.s32 $0x1, v0;
	v2 =	vadd.s32 $0x2, v0;
	s2 =	simm.s32 $0x0;
	[dreg:$0x6] =	wrdreg s26;
	s26 =	simm.s32 $0x9F00  }
.LBB2_1:
0xf: {  	[dreg:$0x7] =	wrdreg s2  }
0x10: {  	s1 =	rddreg [dreg:$0x5]  }
0x11: {  	[tilespmem:s17], [sflag:$0x2] =	stream.linear.gather [hbm4b:s1+s4], $0x100, $0x38;
	[tilespmem:$0x10000] =	vst v63  }
0x12: {  	_ =	swait.ge [sflag:s18], $0x100  }
0x13: {  	[sflag:s18] =	ssyncset.done $0x0  }
0x14: {  	s16 =	simm.s32 $0x0;
	[sflag:s18] =	ssyncadd.s32 $0xFFFFFF00  }
.LBB2_2:
0x15: {  	s1 =	smul.u32 $0xFA0, s16;
	_ =	sdelay $0x1  }
0x16: {  	s2 =	sadd.s32 s15, s1  }
0x17: {  	s1 =	sshrl.u32 s2, $0x3  }
0x18: {  	s22 =	simm.s32 $0x0;
	s3 =	sadd.s32 s5, s1  }
0x19: {  	[tilespmem:s22], [sflag:$0x2] =	stream.linear.gather [hbm4b:s3+s22], $0xFA0, $0x38;
	[tilespmem:$0x10000] =	vst v63  }
0x1a: {  	_ =	swait.ge [sflag:s18], $0xFA0  }
0x1b: {  	[sflag:s18] =	ssyncset.done $0x0  }
0x1c: {  	[sflag:s18] =	ssyncadd.s32 $0xFFFFF060  }
0x1d: {  	s23 =	rddreg [dreg:$0x1]  }
0x1e: {  	s2 =	smul.u32 $0x3, s2;
	s3 =	sadd.s32 s23, s1  }
0x1f: {  	[tilespmem:s19], [sflag:$0x2] =	stream.linear.gather [hbm4b:s3+s22], $0xFA0, $0x38;
	[tilespmem:$0x10000] =	vst v63  }
0x20: {  	_ =	swait.ge [sflag:s18], $0xFA0  }
0x21: {  	s2 =	sshrl.u32 s2, $0x3;
	[sflag:s18] =	ssyncset.done $0x0  }
0x22: {  	s2 =	sadd.s32 s6, s2;
	[sflag:s18] =	ssyncadd.s32 $0xFFFFF060  }
0x23: {  	[tilespmem:s20], [sflag:$0x2] =	stream.linear.gather [hbm4b:s2+s22], $0x2EE0, $0x38;
	[tilespmem:$0x10000] =	vst v63  }
0x24: {  	_ =	swait.ge [sflag:s18], $0x2EE0  }
0x25: {  	[sflag:s18] =	ssyncset.done $0x0  }
0x26: {  	s24 =	simm.s32 $0x5F00;
	[sflag:s18] =	ssyncadd.s32 $0xFFFFD120  }
0x27: {  	[tilespmem:s24], [sflag:$0x1] =	stream.indirect.gather [hbm4b:s7+s21], $0x1, s22, s21, $0xb8;
	[tilespmem:$0x10000] =	vst v63  }
0x28: {  	s3 =	simm.s32 $0x6F00  }
0x29: {  	[tilespmem:s3], [sflag:$0x1] =	stream.indirect.gather [hbm4b:s9+s21], $0x1, s22, s21, $0xb8;
	[tilespmem:$0x10000] =	vst v63  }
0x2a: {  	s23 =	simm.s32 $0x7F00  }
0x2b: {  	[tilespmem:s23], [sflag:$0x1] =	stream.indirect.gather [hbm4b:s10+s21], $0x1, s22, s21, $0xb8;
	[tilespmem:$0x10000] =	vst v63  }
0x2c: {  	_ = 	snop  }
0x2d: {  	[tilespmem:s25], [sflag:$0x1] =	stream.indirect.gather [hbm4b:s7+s21], $0x1, s19, s21, $0xb8;
	[tilespmem:$0x10000] =	vst v63  }
0x2e: {  	_ = 	snop  }
0x2f: {  	[tilespmem:s26], [sflag:$0x1] =	stream.indirect.gather [hbm4b:s9+s21], $0x1, s19, s21, $0xb8;
	[tilespmem:$0x10000] =	vst v63  }
0x30: {  	_ = 	snop  }
0x31: {  	[tilespmem:s28], [sflag:$0x1] =	stream.indirect.gather [hbm4b:s10+s21], $0x1, s19, s21, $0xb8;
	[tilespmem:$0x10000] =	vst v63  }
0x32: {  	s24 =	rddreg [dreg:$0x2]  }
0x33: {  	[tilespmem:s29], [sflag:$0x1] =	stream.indirect.gather [hbm4b:s24+s21], $0x1, s19, s21, $0xb8;
	[tilespmem:$0x10000] =	vst v63  }
0x34: {  	_ =	swait.ge [sflag:s30], $0xFA0  }
0x35: {  	[sflag:s30] =	ssyncset.done $0x0  }
0x36: {  	[sflag:s30] =	ssyncadd.s32 $0xFFFFF060  }
0x37: {  	_ =	swait.ge [sflag:s30], $0xFA0  }
0x38: {  	[sflag:s30] =	ssyncset.done $0x0  }
0x39: {  	[sflag:s30] =	ssyncadd.s32 $0xFFFFF060  }
0x3a: {  	_ =	swait.ge [sflag:s30], $0xFA0  }
0x3b: {  	[sflag:s30] =	ssyncset.done $0x0  }
0x3c: {  	[sflag:s30] =	ssyncadd.s32 $0xFFFFF060  }
0x3d: {  	_ =	swait.ge [sflag:s30], $0xFA0  }
0x3e: {  	[sflag:s30] =	ssyncset.done $0x0  }
0x3f: {  	[sflag:s30] =	ssyncadd.s32 $0xFFFFF060  }
0x40: {  	_ =	swait.ge [sflag:s30], $0xFA0  }
0x41: {  	[sflag:s30] =	ssyncset.done $0x0  }
0x42: {  	[sflag:s30] =	ssyncadd.s32 $0xFFFFF060  }
0x43: {  	_ =	swait.ge [sflag:s30], $0xFA0  }
0x44: {  	[sflag:s30] =	ssyncset.done $0x0  }
0x45: {  	[sflag:s30] =	ssyncadd.s32 $0xFFFFF060  }
0x46: {  	v4 =	vmov s22;
	_ =	swait.ge [sflag:s30], $0xFA0  }
0x47: {  	v4 =	vmul.u32 $0x3, v4;
	[sflag:s30] =	ssyncset.done $0x0  }
0x48: {  	s2 =	simm.s32 $0x0;
	[sflag:s30] =	ssyncadd.s32 $0xFFFFF060  }
0x49: {  	v4 =	vbroadcast v4, $0x0;
	v3 =	vld [tilespmem:s2+$0x2000];
	_ =	sdelay $0x1  }
0x4a: {  	v9 =	vadd.s32 v1, v4;
	v5 =	vld [tilespmem:s2+$0x5F00]  }
0x4b: {  	v15 =	vadd.s32 v0, v4;
	v7 =	vld [tilespmem:s2+$0x8F00]  }
0x4c: {  	v4 =	vadd.s32 v2, v4;
	v10 =	vld [tilespmem:s2+$0x6F00]  }
0x4d: {  	v11 =	vld [tilespmem:s2+$0x7F00];
	v3 =	vmul.u32 $0x9, v3  }
0x4e: {  	v13 =	vld [tilespmem:s2+$0xAF00]  }
0x4f: {  	v9 =	vld.idx.msk [tilespmem:v9+s20+$0x0], $0xffff;
	v8 =	vadd.s32 $0x3, v3  }
0x50: {  	v15 =	vld.idx.msk [tilespmem:v15+s20+$0x0], $0xffff;
	v12 =	vadd.s32 $0x1, v3  }
0x51: {  	v21 =	vld.idx.msk [tilespmem:v4+s20+$0x0], $0xffff;
	v14 =	vadd.s32 $0x5, v3  }
0x52: {  	v22 =	vld [tilespmem:s2+$0x9F00];
	v16 =	vadd.s32 $0x4, v3  }
0x53: {  	v17 =	vadd.s32 $0x2, v3;
	v19 =	vld.idx.msk [tilespmem:v3+s17+$0x0], $0xffff  }
0x54: {  	v18 =	vadd.s32 $0x6, v3;
	v8 =	vld.idx.msk [tilespmem:v8+s17+$0x0], $0xffff  }
0x55: {  	v6 =	vadd.s32 $0x7, v3;
	v12 =	vld.idx.msk [tilespmem:v12+s17+$0x0], $0xffff  }
0x56: {  	v20 =	vadd.s32 $0x8, v3;
	v14 =	vld.idx.msk [tilespmem:v14+s17+$0x0], $0xffff  }
0x57: {  	v16 =	vld.idx.msk [tilespmem:v16+s17+$0x0], $0xffff  }
0x58: {  	v17 =	vld.idx.msk [tilespmem:v17+s17+$0x0], $0xffff  }
0x59: {  	v18 =	vld.idx.msk [tilespmem:v18+s17+$0x0], $0xffff  }
0x5a: {  	v6 =	vld.idx.msk [tilespmem:v6+s17+$0x0], $0xffff  }
0x5b: {  	v4 =	vsub.f32 v11, v13;
	v20 =	vld.idx.msk [tilespmem:v20+s17+$0x0], $0xffff;
	v11 =	vmul.f32 v19, v15  }
0x5c: {  	v3 =	vsub.f32 v5, v7;
	v5 =	vmul.f32 v12, v15;
	v7 =	vmul.f32 v16, v9  }
0x5d: {  	v8 =	vmul.f32 v8, v9;
	v9 =	vmul.f32 v14, v9  }
0x5e: {  	s3 =	simm.s32 $0x10;
	v13 =	vmul.f32 v17, v15;
	v14 =	vmul.f32 v18, v21  }
0x5f: {  	v15 =	vmul.f32 v6, v21;
	v12 =	vadd.f32 v7, v5;
	v7 =	vld [tilespmem:s3+$0x2000];
	v11 =	vadd.f32 v8, v11  }
0x60: {  	v6 =	vld [tilespmem:s3+$0x8F00];
	v9 =	vadd.f32 v9, v13;
	v8 =	vsub.f32 v10, v22;
	v10 =	vmul.f32 v20, v21  }
0x61: {  	s23 =	simm.s32 $0x80;
	s22 =	simm.s32 $0x10;
	v5 =	vld [tilespmem:s3+$0x5F00];
	v11 =	vadd.f32 v14, v11;
	v12 =	vadd.f32 v15, v12  }
.LBB2_3:
0x62: {  	p0 =	sne.s32 s23, $0x3E40;
	v13 =	vld [tilespmem:s3+$0x6F00];
	v9 =	vadd.f32 v10, v9;
	s24 =	smov.u32 s23;
	s23 =	sadd.s32 $0x40, s23  }
0x63: {  	v10 =	vld [tilespmem:s3+$0x7F00];
	v3 =	vadd.f32 v3, v11;
	v8 =	vadd.f32 v8, v12  }
0x64: {  	v7 =	vmul.u32 $0x9, v7;
	v11 =	vld [tilespmem:s3+$0xAF00];
	v4 =	vadd.f32 v4, v9  }
0x65: {  	v9 =	vmul.f32 v3, v3;
	v12 =	vmul.f32 v8, v8;
	[tilespmem:s2+$0xBF00] =	vst v3  }
0x66: {  	v14 =	vadd.s32 $0x1, v7;
	v15 =	vadd.s32 $0x3, v7;
	v16 =	vmul.f32 v4, v4;
	[tilespmem:s2+$0xCF00] =	vst v8  }
0x67: {  	v8 =	vadd.s32 $0x2, v7;
	v17 =	vadd.s32 $0x5, v7;
	v9 =	vadd.f32 v12, v9;
	[tilespmem:s2+$0xDF00] =	vst v4  }
0x68: {  	v18 =	vadd.s32 $0x8, v7;
	v3 =	vsub.f32 v5, v6;
	v12 =	vadd.s32 $0x7, v7  }
0x69: {  	v5 =	vadd.s32 $0x6, v7;
	v4 =	vsub.f32 v10, v11;
	v6 =	vadd.f32 v16, v9;
	_ =	sdelay $0x1  }
0x6a: {  	v9 =	vadd.s32 $0x4, v7;
	v10 =	vmax.f32 v6, $1.000000000e-30  }
0x6b: {  	v11 =	vshra.s32 v10, $0x1;
	v10 =	vmul.f32 $5.000000000e-01, v10  }
0x6c: {  	v11 =	vsub.s32 $0x5F3759DF, v11  }
0x6d: {  	v16 =	vmul.f32 v11, v10;
	_ =	sdelay $0x1  }
0x6e: {  	v16 =	vmul.f32 v11, v16;
	_ =	sdelay $0x1  }
0x6f: {  	v16 =	vsub.f32 $1.500000000e+00, v16;
	_ =	sdelay $0x1  }
0x70: {  	v11 =	vmul.f32 v11, v16;
	_ =	sdelay $0x1  }
0x71: {  	v10 =	vmul.f32 v11, v10;
	_ =	sdelay $0x1  }
0x72: {  	v10 =	vmul.f32 v10, v11  }
0x73: {  	v16 =	vmov s22  }
0x74: {  	v16 =	vmul.u32 $0x3, v16;
	v10 =	vsub.f32 $1.500000000e+00, v10;
	_ =	sdelay $0x1  }
0x75: {  	v16 =	vbroadcast v16, $0x0;
	v10 =	vmul.f32 v10, v11;
	_ =	sdelay $0x1  }
0x76: {  	v11 =	vadd.s32 v1, v16;
	v6 =	vmul.f32 v10, v6;
	_ =	sdelay $0x1  }
0x77: {  	[tilespmem:s2+$0xEF00] =	vst v6;
	s2 =	smov.u32 s3  }
0x78: {  	v6 =	vld.idx.msk [tilespmem:v12+s17+$0x0], $0xffff  }
0x79: {  	v10 =	vadd.s32 v0, v16;
	v12 =	vld.idx.msk [tilespmem:v15+s17+$0x0], $0xffff  }
0x7a: {  	v11 =	vld.idx.msk [tilespmem:v11+s20+$0x0], $0xffff  }
0x7b: {  	v14 =	vld.idx.msk [tilespmem:v14+s17+$0x0], $0xffff  }
0x7c: {  	v7 =	vld.idx.msk [tilespmem:v7+s17+$0x0], $0xffff  }
0x7d: {  	v15 =	vadd.s32 v2, v16;
	v16 =	vld.idx.msk [tilespmem:v17+s17+$0x0], $0xffff  }
0x7e: {  	v10 =	vld.idx.msk [tilespmem:v10+s20+$0x0], $0xffff  }
0x7f: {  	v9 =	vld.idx.msk [tilespmem:v9+s17+$0x0], $0xffff  }
0x80: {  	v8 =	vld.idx.msk [tilespmem:v8+s17+$0x0], $0xffff  }
0x81: {  	v5 =	vld.idx.msk [tilespmem:v5+s17+$0x0], $0xffff  }
0x82: {  	v15 =	vld.idx.msk [tilespmem:v15+s20+$0x0], $0xffff  }
0x83: {  	v17 =	vld.idx.msk [tilespmem:v18+s17+$0x0], $0xffff  }
0x84: {  	v14 =	vmul.f32 v14, v10;
	v18 =	vld [tilespmem:s2+$0x9F00]  }
0x85: {  	v16 =	vmul.f32 v16, v11;
	v9 =	vmul.f32 v9, v11  }
.Ltmp0:
0x86: {  	s22 =	sadd.s32 $0x10, s22;
	v19 =	vmul.f32 v7, v10;
	v11 =	vmul.f32 v12, v11;
	(pc) =	sbr.rel @p0 .LBB2_3-.Ltmp0, $4  }
0x87: {  	s3 =	sshra.s32 s24, $0x2;
	v8 =	vmul.f32 v8, v10;
	v12 =	vadd.f32 v9, v14  }
0x88: {  	v11 =	vadd.f32 v11, v19;
	v14 =	vmul.f32 v5, v15;
	v19 =	vmul.f32 v6, v15;
	v7 =	vld [tilespmem:s3+$0x2000]  }
0x89: {  	v9 =	vadd.f32 v16, v8;
	v10 =	vmul.f32 v17, v15;
	v5 =	vld [tilespmem:s3+$0x5F00];
	v8 =	vsub.f32 v13, v18  }
0x8a: {  	v11 =	vadd.f32 v14, v11;
	v12 =	vadd.f32 v19, v12;
	v6 =	vld [tilespmem:s3+$0x8F00]  }
0x8b: {  	v9 =	vadd.f32 v10, v9  }
0x8c: {  	v3 =	vadd.f32 v3, v11;
	v8 =	vadd.f32 v8, v12;
	_ =	sdelay $0x1  }
0x8d: {  	v4 =	vadd.f32 v4, v9;
	v39 =	vmul.f32 v3, v3;
	v40 =	vmul.f32 v8, v8;
	_ =	sdelay $0x1  }
0x8e: {  	v41 =	vmul.f32 v4, v4;
	v9 =	vadd.f32 v40, v39;
	_ =	sdelay $0x1  }
0x8f: {  	v9 =	vadd.f32 v41, v9;
	_ =	sdelay $0x1  }
0x90: {  	v42 =	vmax.f32 v9, $1.000000000e-30  }
0x91: {  	v43 =	vshra.s32 v42, $0x1;
	v10 =	vmul.f32 $5.000000000e-01, v42  }
0x92: {  	v11 =	vsub.s32 $0x5F3759DF, v43  }
0x93: {  	v44 =	vmul.f32 v11, v10;
	_ =	sdelay $0x1  }
0x94: {  	v12 =	vmul.f32 v11, v44;
	_ =	sdelay $0x1  }
0x95: {  	v12 =	vsub.f32 $1.500000000e+00, v12;
	_ =	sdelay $0x1  }
0x96: {  	v11 =	vmul.f32 v11, v12;
	_ =	sdelay $0x1  }
0x97: {  	v10 =	vmul.f32 v11, v10;
	_ =	sdelay $0x1  }
0x98: {  	v10 =	vmul.f32 v10, v11  }
0x99: {  	v45 =	vmov s22  }
0x9a: {  	v7 =	vmul.u32 $0x9, v7;
	v12 =	vmul.u32 $0x3, v45;
	v10 =	vsub.f32 $1.500000000e+00, v10  }
0x9b: {  	v13 =	vld [tilespmem:s3+$0x6F00]  }
0x9c: {  	v14 =	vld [tilespmem:s3+$0x7F00];
	v16 =	vadd.s32 $0x7, v7;
	v12 =	vbroadcast v12, $0x0;
	v10 =	vmul.f32 v10, v11  }
0x9d: {  	v15 =	vld [tilespmem:s3+$0xAF00];
	[tilespmem:s2+$0xBF00] =	vst v3;
	v3 =	vadd.s32 $0x3, v7  }
0x9e: {  	[tilespmem:s2+$0xCF00] =	vst v8;
	v46 =	vadd.s32 v1, v12;
	v9 =	vmul.f32 v10, v9  }
0x9f: {  	v47 =	vadd.s32 $0x1, v7;
	[tilespmem:s2+$0xDF00] =	vst v4  }
0xa0: {  	[tilespmem:s2+$0xEF00] =	vst v9  }
0xa1: {  	v48 =	vadd.s32 $0x5, v7;
	v9 =	vld.idx.msk [tilespmem:v16+s17+$0x0], $0xffff  }
0xa2: {  	v49 =	vadd.s32 v0, v12;
	v3 =	vld.idx.msk [tilespmem:v3+s17+$0x0], $0xffff  }
0xa3: {  	v50 =	vadd.s32 $0x4, v7;
	v8 =	vld.idx.msk [tilespmem:v46+s20+$0x0], $0xffff  }
0xa4: {  	v18 =	vadd.s32 $0x6, v7;
	v10 =	vld.idx.msk [tilespmem:v47+s17+$0x0], $0xffff  }
0xa5: {  	v12 =	vadd.s32 v2, v12;
	v19 =	vld.idx.msk [tilespmem:v7+s17+$0x0], $0xffff  }
0xa6: {  	v17 =	vadd.s32 $0x2, v7;
	v4 =	vld.idx.msk [tilespmem:v48+s17+$0x0], $0xffff  }
0xa7: {  	v11 =	vld.idx.msk [tilespmem:v49+s20+$0x0], $0xffff  }
0xa8: {  	v7 =	vadd.s32 $0x8, v7;
	v16 =	vld.idx.msk [tilespmem:v50+s17+$0x0], $0xffff  }
0xa9: {  	v18 =	vld.idx.msk [tilespmem:v18+s17+$0x0], $0xffff  }
0xaa: {  	v12 =	vld.idx.msk [tilespmem:v12+s20+$0x0], $0xffff  }
0xab: {  	v17 =	vld.idx.msk [tilespmem:v17+s17+$0x0], $0xffff  }
0xac: {  	v20 =	vld [tilespmem:s3+$0x9F00]  }
0xad: {  	v7 =	vld.idx.msk [tilespmem:v7+s17+$0x0], $0xffff;
	v51 =	vmul.f32 v19, v11;
	v3 =	vmul.f32 v3, v8  }
0xae: {  	v5 =	vsub.f32 v5, v6;
	v10 =	vmul.f32 v10, v11;
	v16 =	vmul.f32 v16, v8  }
0xaf: {  	v4 =	vmul.f32 v4, v8;
	v54 =	vmul.f32 v18, v12;
	v3 =	vadd.f32 v3, v51  }
0xb0: {  	v53 =	vmul.f32 v17, v11;
	v9 =	vmul.f32 v9, v12;
	v52 =	vadd.f32 v16, v10  }
0xb1: {  	v55 =	vsub.f32 v13, v20;
	v3 =	vadd.f32 v54, v3  }
0xb2: {  	v4 =	vadd.f32 v4, v53;
	v56 =	vadd.f32 v9, v52;
	v7 =	vmul.f32 v7, v12  }
0xb3: {  	v57 =	vsub.f32 v14, v15;
	v3 =	vadd.f32 v5, v3  }
0xb4: {  	v58 =	vadd.f32 v55, v56;
	v4 =	vadd.f32 v7, v4;
	_ =	sdelay $0x1  }
0xb5: {  	v59 =	vmul.f32 v3, v3;
	v60 =	vmul.f32 v58, v58;
	v4 =	vadd.f32 v57, v4;
	_ =	sdelay $0x1  }
0xb6: {  	v6 =	vadd.f32 v60, v59;
	v8 =	vmul.f32 v4, v4;
	_ =	sdelay $0x1  }
0xb7: {  	v6 =	vadd.f32 v8, v6;
	_ =	sdelay $0x1  }
0xb8: {  	v61 =	vmax.f32 v6, $1.000000000e-30  }
0xb9: {  	v62 =	vshra.s32 v61, $0x1;
	v7 =	vmul.f32 $5.000000000e-01, v61  }
0xba: {  	v8 =	vsub.s32 $0x5F3759DF, v62  }
0xbb: {  	v63 =	vmul.f32 v8, v7;
	_ =	sdelay $0x1  }
0xbc: {  	v9 =	vmul.f32 v8, v63;
	_ =	sdelay $0x1  }
0xbd: {  	v9 =	vsub.f32 $1.500000000e+00, v9;
	_ =	sdelay $0x1  }
0xbe: {  	v8 =	vmul.f32 v8, v9;
	_ =	sdelay $0x1  }
0xbf: {  	v7 =	vmul.f32 v8, v7;
	_ =	sdelay $0x1  }
0xc0: {  	v7 =	vmul.f32 v7, v8;
	_ =	sdelay $0x1  }
0xc1: {  	v7 =	vsub.f32 $1.500000000e+00, v7;
	_ =	sdelay $0x1  }
0xc2: {  	v7 =	vmul.f32 v7, v8  }
0xc3: {  	[tilespmem:s3+$0xBF00] =	vst v3  }
0xc4: {  	[tilespmem:s3+$0xCF00] =	vst v58;
	v3 =	vmul.f32 v7, v6  }
0xc5: {  	[tilespmem:s3+$0xDF00] =	vst v4  }
0xc6: {  	s24 =	sadd.s32 s12, s1;
	[tilespmem:s3+$0xEF00] =	vst v3  }
0xc7: {  	[hbm4b:s24+s4] =	stream.linear.scatter [tilespmem:s31], [sflag:$0x2], $0xFA0, $0x38;
	[tilespmem:$0x10000] =	vst v63  }
0xc8: {  	_ =	swait.ge [sflag:s18], $0xFA0  }
0xc9: {  	[sflag:s18] =	ssyncset.done $0x0  }
0xca: {  	s3 =	sadd.s32 s13, s1;
	[sflag:s18] =	ssyncadd.s32 $0xFFFFF060  }
0xcb: {  	[hbm4b:s3+s4] =	stream.linear.scatter [tilespmem:s0], [sflag:$0x2], $0xFA0, $0x38;
	[tilespmem:$0x10000] =	vst v63  }
0xcc: {  	_ =	swait.ge [sflag:s18], $0xFA0  }
0xcd: {  	[sflag:s18] =	ssyncset.done $0x0  }
0xce: {  	s22 =	sadd.s32 s14, s1;
	[sflag:s18] =	ssyncadd.s32 $0xFFFFF060  }
0xcf: {  	[hbm4b:s22+s4] =	stream.linear.scatter [tilespmem:s8], [sflag:$0x2], $0xFA0, $0x38;
	[tilespmem:$0x10000] =	vst v63  }
0xd0: {  	_ =	swait.ge [sflag:s18], $0xFA0  }
0xd1: {  	[sflag:s18] =	ssyncset.done $0x0  }
0xd2: {  	s16 =	sadd.s32 $0x1, s16;
	[sflag:s18] =	ssyncadd.s32 $0xFFFFF060  }
0xd3: {  	p0 =	sne.s32 s16, $0x32;
	s23 =	rddreg [dreg:$0x3]  }
.Ltmp1:
0xd4: {  	s24 =	sadd.s32 s23, s1;
	(pc) =	sbr.rel @p0 .LBB2_2-.Ltmp1, $4  }
0xd5: {  	[hbm4b:s24+s4] =	stream.linear.scatter [tilespmem:s11], [sflag:$0x2], $0xFA0, $0x38;
	[tilespmem:$0x10000] =	vst v63  }
0xd6: {  	_ =	swait.ge [sflag:s18], $0xFA0  }
0xd7: {  	[sflag:s18] =	ssyncset.done $0x0  }
0xd8: {  	[sflag:s18] =	ssyncadd.s32 $0xFFFFF060  }
0xd9: {  	s2 =	rddreg [dreg:$0x7]  }
0xda: {  	s1 =	rddreg [dreg:$0x6];
	s2 =	sadd.s32 $0x1, s2  }
0xdb: {  	p0 =	sne.s32 s2, s1  }
.Ltmp2:
0xdc: {  	_ = 	snop;
	(pc) =	sbr.rel @p0 .LBB2_1-.Ltmp2, $1  }
0xdd: {  	_ =	sdelay $0x3  }
0xde: {  	_ =	sfence.sel $0x180000  }
0xdf: {  	[bflag:$0x0] =	sbarrier.arrive $0xFFFF  }
0xe0: {  	_ =	strace $0x90000047  }
0xe1: {  	s0 =	stileid.u32;
	[bflag:$0x2] =	sbarrier.arrive $0xFFFF  }
0xe2: {  	p0 =	sne.s32 s0, $0x0;
	s0 =	rddreg [dreg:$0x4]  }
0xe3: {  	s0 =	sadd.s32 @!p0 $0x100000, s0  }
0xe4: {  	[sflag:s0] =	ssyncadd.tile.s32 @!p0 $0x1;
	_ =	shalt  }
.Lfunc_end2:
_tile_overlayer_lowered:
.L_overlay_start_2:
0xe5: {  	(tag) =	ssettag $0x2  }
0xe6: {  	s0 =	rddreg [dreg:$0x0];
	s2 =	stileid.u32  }
0xe7: {  	s1 =	rddreg [dreg:$0x1];
	p0 =	sne.s32 s2, $0x0  }
0xe8: {  	s3 =	rddreg [dreg:$0x2];
	[bflag:$0x3] =	sbarrier.arrive $0xFFFF;
	s2 =	simm.s32 @!p0 $0x1C02  }
0xe9: {  	[timem:s3], [sflag:s2] =	dma.local @!p0 [hbm:s0], s1  }
0xea: {  	s0 =	simm.s32 @!p0 $0x2  }
0xeb: {  	_ =	swait.ge @!p0 [sflag:s0], s1  }
0xec: {  	s1 =	ssub.s32 @!p0 $0x0, s1;
	[sflag:s0] =	ssyncset.done @!p0 $0x0  }
0xed: {  	[sflag:s0] =	ssyncadd.s32 @!p0 s1  }
0xee: {  	[bflag:$0x3] =	sbarrier.arrive $0xFFFF  }
0xef: {  	_ =	shalt  }

// kernel: kernel.7.cloned.1.call-start
scs
__scs_entry_jumppad:
0x0: {  	(pc) =	sbr.rel $0x88, $3  }
0x1: {  	(tag) =	ssettag $0x0;
	lr =	simm.s32 $0x1  }
0x2: {  	[smem:$0x3F9A] =	sst lr;
	_ =	strace $0xD0000000  }
0x3: {  	_ = 	snop  }
0x4: {  	_ = 	snop  }
0x5: {  	_ = 	snop  }
0x6: {  	_ = 	snop  }
0x7: {  	_ = 	snop  }
__scs_overlays_trampoline_lowered:
0x8: {  	[smem:$0x3FA9] =	sst s0  }
0x9: {  	[smem:$0x3FAA] =	sst s1  }
0xa: {  	[smem:$0x3FAB] =	sst s2  }
0xb: {  	[smem:$0x3FAC] =	sst s3  }
0xc: {  	[smem:$0x3FAD] =	sst s4  }
0xd: {  	[smem:$0x3FAE] =	sst s5  }
0xe: {  	[smem:$0x3FAF] =	sst s6  }
0xf: {  	[smem:$0x3FB0] =	sst s7  }
0x10: {  	[smem:$0x3FB1] =	sst s8  }
0x11: {  	[smem:$0x3FB2] =	sst s9;
	s0 =	simm.s32 @!p0 $0x0  }
0x12: {  	s1 =	sld [smem:$0x3F98];
	s0 =	simm.s32 @p0 $0x1  }
0x13: {  	[smem:$0x3FB3] =	sst s0;
	s0 =	simm.s32 @!p1 $0x0  }
0x14: {  	s2 =	sld [smem:$0x3F97];
	s0 =	simm.s32 @p1 $0x1  }
0x15: {  	[smem:$0x3FB4] =	sst s0;
	s0 =	simm.s32 @!p2 $0x0  }
0x16: {  	s3 =	sld [smem:$0x3FDB];
	s0 =	simm.s32 @p2 $0x1  }
0x17: {  	s4 =	simm.s32 $0x1BF5;
	[smem:$0x3FB6] =	sst s0  }
0x18: {  	s0 =	sld [smem:$0x3F99];
	_ =	swait.ge [sflag:s4], $0x0  }
0x19: {  	s7 =	sld [smem:$0x3F9A]  }
0x1a: {  	s8 =	sadd.s32 $0xFFFFE003, lr  }
0x1b: {  	s9 =	sadd.s32 $0xFFFFFEF7, lr;
	s5 =	simm.s32 $0xFFFFFFFF;
	p2 =	slt.u32 s8, $0xFFFFF086  }
0x1c: {  	p1 =	slt.u32 s9, $0xF7A;
	s5 =	simm.s32 @!p2 $0x0  }
0x1d: {  	s5 =	simm.s32 @p1 $0x1;
	p0 =	seq.s32 s7, s2  }
0x1e: {  	s7 =	smul.u32 @!p0 $0xF7A, s2;
	p2 =	seq.s32 @!p0 s5, $0x0  }
0x1f: {  	s9 =	smul.u32 $0xF7A, s1;
	s8 =	simm.s32 @!p0 $0x1BF5;
	p2 =	por !p2, p0  }
0x20: {  	[sflag:s8] =	ssyncset.s32 @!p0 $0xFFFFF086;
	s6 =	sadd.s32 @!p0 s3, s7;
	s7 =	simm.s32 @!p0 $0x108  }
0x21: {  	s3 =	sadd.s32 s3, s9;
	s6 =	sadd.s32 @!p0 $0x88, s6;
	s7 =	simm.s32 @p2 $0x1082  }
0x22: {  	[simem:s7], [sflag:s8] =	dma.local @!p0 [hbm:s6], $0xF7A  }
0x23: {  	s9 =	sor.u32 $0xD0000000, s2;
	s6 =	simm.s32 $0x108;
	_ =	swait.ge @!p0 [sflag:s8], $0x0  }
0x24: {  	s3 =	sadd.s32 $0x88, s3;
	s6 =	simm.s32 @!p1 $0x1082;
	[sflag:s4] =	ssyncset.s32 $0xFFFFF086  }
0x25: {  	[simem:s6], [sflag:s4] =	dma.local [hbm:s3], $0xF7A  }
0x26: {  	[smem:$0x3F9A] =	sst s1;
	(tag) =	ssettag s2;
	_ =	strace s9  }
0x27: {  	s1 =	sld [smem:$0x3FAA]  }
0x28: {  	s2 =	sld [smem:$0x3FAB]  }
0x29: {  	s4 =	sld [smem:$0x3FAD]  }
0x2a: {  	p0 =	seq.s32 s5, $0x0;
	s5 =	sld [smem:$0x3FAE]  }
0x2b: {  	s6 =	sld [smem:$0x3FAF]  }
0x2c: {  	s7 =	sld [smem:$0x3FB0]  }
0x2d: {  	s3 =	simm.s32 $0x108;
	s8 =	sld [smem:$0x3FB1]  }
0x2e: {  	s3 =	simm.s32 @!p0 $0x1082;
	s9 =	sld [smem:$0x3FB2]  }
0x2f: {  	lr =	sadd.s32 s0, s3;
	s0 =	sld [smem:$0x3FA9]  }
0x30: {  	s3 =	sld [smem:$0x3FAC]  }
0x31: {  	[smem:$0x3FB5] =	sst s10  }
0x32: {  	s10 =	sld [smem:$0x3FB3];
	_ =	sdelay $0x3  }
0x33: {  	p0 =	seq.s32 s10, $0x1;
	s10 =	sld [smem:$0x3FB5];
	_ =	sdelay $0x3  }
0x34: {  	[smem:$0x3FB5] =	sst s10  }
0x35: {  	s10 =	sld [smem:$0x3FB4];
	_ =	sdelay $0x3  }
0x36: {  	p1 =	seq.s32 s10, $0x1;
	s10 =	sld [smem:$0x3FB5];
	_ =	sdelay $0x3  }
0x37: {  	[smem:$0x3FB5] =	sst s10  }
0x38: {  	s10 =	sld [smem:$0x3FB6]  }
0x39: {  	_ = 	snop;
	(pc) =	sbr.ind lr, $3  }
0x3a: {  	_ = 	snop  }
0x3b: {  	_ = 	snop  }
0x3c: {  	p2 =	seq.s32 s10, $0x1;
	s10 =	sld [smem:$0x3FB5]  }
0x3d: {  	_ =	shalt  }
0x3e: {  	_ =	shalt  }
0x3f: {  	_ =	shalt  }
0x40: {  	_ =	shalt  }
0x41: {  	_ =	shalt  }
0x42: {  	_ =	shalt  }
0x43: {  	_ =	shalt  }
0x44: {  	_ =	shalt  }
0x45: {  	_ =	shalt  }
0x46: {  	_ =	shalt  }
0x47: {  	_ =	shalt  }
0x48: {  	_ =	shalt  }
0x49: {  	_ =	shalt  }
0x4a: {  	_ =	shalt  }
0x4b: {  	_ =	shalt  }
0x4c: {  	_ =	shalt  }
0x4d: {  	_ =	shalt  }
0x4e: {  	_ =	shalt  }
0x4f: {  	_ =	shalt  }
0x50: {  	_ =	shalt  }
0x51: {  	_ =	shalt  }
0x52: {  	_ =	shalt  }
0x53: {  	_ =	shalt  }
0x54: {  	_ =	shalt  }
0x55: {  	_ =	shalt  }
0x56: {  	_ =	shalt  }
0x57: {  	_ =	shalt  }
0x58: {  	_ =	shalt  }
0x59: {  	_ =	shalt  }
0x5a: {  	_ =	shalt  }
0x5b: {  	_ =	shalt  }
0x5c: {  	_ =	shalt  }
0x5d: {  	_ =	shalt  }
0x5e: {  	_ =	shalt  }
0x5f: {  	_ =	shalt  }
0x60: {  	_ =	shalt  }
0x61: {  	_ =	shalt  }
0x62: {  	_ =	shalt  }
0x63: {  	_ =	shalt  }
0x64: {  	_ =	shalt  }
0x65: {  	_ =	shalt  }
0x66: {  	_ =	shalt  }
0x67: {  	_ =	shalt  }
0x68: {  	_ =	shalt  }
0x69: {  	_ =	shalt  }
0x6a: {  	_ =	shalt  }
0x6b: {  	_ =	shalt  }
0x6c: {  	_ =	shalt  }
0x6d: {  	_ =	shalt  }
0x6e: {  	_ =	shalt  }
0x6f: {  	_ =	shalt  }
0x70: {  	_ =	shalt  }
0x71: {  	_ =	shalt  }
0x72: {  	_ =	shalt  }
0x73: {  	_ =	shalt  }
0x74: {  	_ =	shalt  }
0x75: {  	_ =	shalt  }
0x76: {  	_ =	shalt  }
0x77: {  	_ =	shalt  }
0x78: {  	_ =	shalt  }
0x79: {  	_ =	shalt  }
0x7a: {  	_ =	shalt  }
0x7b: {  	_ =	shalt  }
0x7c: {  	_ =	shalt  }
0x7d: {  	_ =	shalt  }
0x7e: {  	_ =	shalt  }
0x7f: {  	_ =	shalt  }
0x80: {  	_ =	shalt  }
0x81: {  	_ =	shalt  }
0x82: {  	_ =	shalt  }
0x83: {  	_ =	shalt  }
0x84: {  	_ =	shalt  }
0x85: {  	_ =	shalt  }
0x86: {  	_ =	shalt  }
0x87: {  	_ =	shalt  }
.Lfunc_end0:
.L_simem_size_0:
called_computation.1_lowered:
.L_overlay_start_0:
0x88: {  	s2 =	sld [smem:$0x3FD9]  }
0x89: {  	s3 =	sld [smem:$0x3FFE];
	_ =	sdelay $0x1  }
0x8a: {  	s1 =	srdreg.scid  }
0x8b: {  	s0 =	sand.u32 $0x1, s1  }
0x8c: {  	s14 =	sshll.u32 s0, $0xA;
	s2 =	sadd.s32 s3, s2  }
0x8d: {  	s2 =	sadd.s32 s2, s14  }
0x8e: {  	[smem:$0x3FC1] =	sst s2  }
0x8f: {  	_ = 	snop  }
0x90: {  	s2 =	sld [smem:$0x3FD0];
	_ =	sdelay $0x1  }
0x91: {  	s15 =	sld [smem:$0x3FC4]  }
0x92: {  	s5 =	simm.s32 $0xA;
	s6 =	simm.s32 $0x10;
	s4 =	sld [smem:$0x3FC3]  }
0x93: {  	[smem:s6], [sflag:s5] =	dma.local [hbm:s2], $0x1  }
0x94: {  	_ =	swait.eq [sflag:s5], $0x1  }
0x95: {  	[sflag:s5] =	ssyncset.done $0x0  }
0x96: {  	[sflag:s5] =	ssyncadd.s32 $0xFFFFFFFF  }
0x97: {  	s16 =	sld [smem:$0x11];
	(tm) =	ssettm $0x1  }
0x98: {  	s17 =	sld [smem:$0x3FFB];
	_ =	sdelay $0x3  }
0x99: {  	_ =	strace s17  }
0x9a: {  	s5 =	sld [smem:$0x3FFC];
	_ =	sdelay $0x3  }
0x9b: {  	_ =	strace s5  }
0x9c: {  	s5 =	sld [smem:$0x3FFD];
	_ =	sdelay $0x3  }
0x9d: {  	_ =	strace s5  }
0x9e: {  	_ =	strace $0x8FFFFFFF  }
0x9f: {  	s18 =	sld [smem:$0x3FDB];
	_ =	sdelay $0x1  }
0xa0: {  	s19 =	simm.s32 $_scs_section_size  }
0xa1: {  	s7 =	simm.s32 $_size__tile_overlayer_lowered;
	s8 =	simm.s32 $_tile_overlayer_lowered  }
0xa2: {  	s22 =	simm.s32 $0x1BFF;
	s21 =	sshll.u32 s8, $0x1;
	s5 =	sadd.s32 s19, s18  }
0xa3: {  	s9 =	simm.s32 $0x0;
	s20 =	sshll.u32 s7, $0x1;
	s7 =	sadd.s32 s21, s5  }
0xa4: {  	[timem:s9], [sflag:s22] =	dma.local [hbm:s7], s20  }
0xa5: {  	_ =	swait.ge [sflag:s22], s20  }
0xa6: {  	s6 =	ssub.s32 $0x0, s20;
	[sflag:s22] =	ssyncset.done $0x0  }
0xa7: {  	[sflag:s22] =	ssyncadd.s32 s6;
	_ =	sdelay $0x1  }
0xa8: {  	s23 =	simm.s32 $0x1B8B  }
0xa9: {  	_ =	swait.ge [sflag:s23], $0x1  }
0xaa: {  	[sflag:s23] =	ssyncset.done $0x0  }
0xab: {  	s25 =	simm.s32 $0x1B8E;
	s24 =	sld [smem:$0x3FFE];
	[sflag:s23] =	ssyncadd.s32 $0xFFFFFFFF  }
0xac: {  	s26 =	simm.s32 $execute0_lowered;
	[smem:$0x3FD2] =	sst s25  }
0xad: {  	s7 =	sshll.u32 s26, $0x1;
	_ =	strace $0x80000049;
	[dreg:$0x1] =	wrdreg $0xFFFFFFFF  }
0xae: {  	s28 =	simm.s32 $_size_execute0_lowered;
	s5 =	sadd.s32 s5, s7;
	[dreg:$0x0] =	wrdreg $0x0  }
0xaf: {  	s7 =	sshll.u32 s28, $0x1;
	[dreg:$0x2] =	wrdreg s5  }
0xb0: {  	[dreg:$0x3] =	wrdreg s7  }
0xb1: {  	[dreg:$0x4] =	wrdreg $0xC0  }
0xb2: {  	_ =	task [dreg:s9], $0x5FFFF  }
0xb3: {  	[dreg:$0x1] =	wrdreg $0xFFFFFFFF  }
0xb4: {  	[dreg:$0x0] =	wrdreg $0x60  }
0xb5: {  	[dreg:$0x2] =	wrdreg s24  }
0xb6: {  	[dreg:$0x3] =	wrdreg s15  }
0xb7: {  	[dreg:$0x4] =	wrdreg s4  }
0xb8: {  	[dreg:$0x5] =	wrdreg s16  }
0xb9: {  	[dreg:$0x6] =	wrdreg $0x9  }
0xba: {  	_ =	task.clear_ibuf [dreg:s9], $0x7FFFF;
	_ =	strace $0x90000049  }
0xbb: {  	s29 =	simm.s32 $0x9;
	_ =	strace $0x8000004B  }
0xbc: {  	_ =	swait.ge [sflag:s29], $0x1  }
0xbd: {  	[sflag:s29] =	ssyncadd.s32 $0xFFFFFFFF  }
0xbe: {  	_ =	strace $0x9000004B  }
0xbf: {  	_ =	sfence  }
0xc0: {  	s30 =	sld [smem:$0x0];
	_ =	sdelay $0x2  }
0xc1: {  	s31 =	sshll.u32 s1, $0xD;
	s1 =	sshrl.u32 s1, $0x2  }
0xc2: {  	s3 =	sand.u32 $0x4000, s31;
	s1 =	sadd.s32 s1, s30  }
0xc3: {  	s0 =	sor.u32 s3, s0;
	s1 =	sshll.u32 s1, $0x11  }
0xc4: {  	s0 =	sor.u32 s1, s0  }
0xc5: {  	s0 =	sadd.s32 $0x8F2B, s0  }
0xc6: {  	[sflag:s0] =	ssyncadd.remote.s32 $0x1  }
0xc7: {  	_ =	sfence.sel $0xFFFF  }
0xc8: {  	[dreg:$0x0] =	wrdreg $0xFFFFFFFF;
	(pc) =	sbr.abs _section_cstart, $3  }
0xc9: {  	[dreg:$0x1] =	wrdreg $0xFFFFFFFF  }
0xca: {  	_ =	task.clear_ibuf [dreg:s9], $0x2FFFF;
	_ =	strace $0x9FFFFFFF  }
0xcb: {  	(tm) =	ssettm $0x7FFFFFFF  }
tec
execute0_lowered:
.L_overlay_start_1:
0x0: {  	(tag) =	ssettag $0x1  }
0x1: {  	s8 =	rddreg [dreg:$0x0]  }
0x2: {  	s1 =	rddreg [dreg:$0x1]  }
0x3: {  	s2 =	rddreg [dreg:$0x2]  }
0x4: {  	s3 =	rddreg [dreg:$0x3]  }
0x5: {  	s0 =	rddreg [dreg:$0x4];
	s4 =	simm.s32 $0x0  }
0x6: {  	s5 =	srdreg.scid;
	s13 =	simm.s32 $0x1F40;
	s14 =	simm.s32 $0x3F00  }
0x7: {  	s15 =	simm.s32 $0x5E80;
	s16 =	simm.s32 $0x7E00;
	s17 =	simm.s32 $0x9D80  }
0x8: {  	s18 =	simm.s32 $0xBD00;
	s19 =	simm.s32 $0xDC80;
	s20 =	simm.s32 $0x1  }
0x9: {  	s21 =	simm.s32 $0xFC00;
	s22 =	simm.s32 $0x0;
	[smem:$0x7FF] =	sst s4  }
0xa: {  	s9 =	sand.u32 $0x1, s5;
	s5 =	stileid.u32;
	s6 =	sadd.s32 $0xCD200, s8  }
0xb: {  	s7 =	sadd.s32 $0x190800, s8;
	s8 =	sadd.s32 $0x253E00, s8;
	s10 =	ssub.s32 $0x2, s9  }
0xc: {  	_ =	strace $0x8000004A;
	s12 =	sshll.u32 s5, $0x1;
	s11 =	sshrl.u32 s10, $0x1  }
0xd: {  	s9 =	sor.u32 s9, s12;
	s12 =	simm.s32 $0x1F80;
	s10 =	ssub.s32 s10, s11  }
0xe: {  	s9 =	smul.u32 $0x61A80, s9;
	s11 =	simm.s32 $0x2;
	s10 =	smax.u32 s10, $0x1  }
.LBB2_1:
0xf: {  	s23 =	simm.s32 $0x0  }
.LBB2_2:
0x10: {  	s24 =	smul.u32 $0x1F40, s23;
	_ =	sdelay $0x1  }
0x11: {  	s24 =	sadd.s32 s9, s24  }
0x12: {  	s24 =	sshrl.u32 s24, $0x3  }
0x13: {  	s26 =	simm.s32 $0x0;
	s25 =	sadd.s32 s1, s24  }
0x14: {  	[tilespmem:s26], [sflag:$0x2] =	stream.linear.gather [hbm4b:s25+s26], $0x1F40, $0x38;
	[tilespmem:$0x11B80] =	vst v63  }
0x15: {  	_ =	swait.ge [sflag:s11], $0x1F40  }
0x16: {  	[sflag:s11] =	ssyncset.done $0x0  }
0x17: {  	s25 =	sadd.s32 s2, s24;
	[sflag:s11] =	ssyncadd.s32 $0xFFFFE0C0  }
0x18: {  	[tilespmem:s12], [sflag:$0x2] =	stream.linear.gather [hbm4b:s25+s26], $0x1F40, $0x38;
	[tilespmem:$0x11B80] =	vst v63  }
0x19: {  	_ =	swait.ge [sflag:s11], $0x1F40  }
0x1a: {  	[sflag:s11] =	ssyncset.done $0x0  }
0x1b: {  	[sflag:s11] =	ssyncadd.s32 $0xFFFFE0C0  }
0x1c: {  	[tilespmem:s14], [sflag:$0x1] =	stream.indirect.gather [hbm4b:s6+s13], $0x1, s26, s13, $0xb8;
	[tilespmem:$0x11B80] =	vst v63  }
0x1d: {  	_ = 	snop  }
0x1e: {  	[tilespmem:s15], [sflag:$0x1] =	stream.indirect.gather [hbm4b:s7+s13], $0x1, s26, s13, $0xb8;
	[tilespmem:$0x11B80] =	vst v63  }
0x1f: {  	_ = 	snop  }
0x20: {  	[tilespmem:s16], [sflag:$0x1] =	stream.indirect.gather [hbm4b:s8+s13], $0x1, s26, s13, $0xb8;
	[tilespmem:$0x11B80] =	vst v63  }
0x21: {  	_ = 	snop  }
0x22: {  	[tilespmem:s17], [sflag:$0x1] =	stream.indirect.gather [hbm4b:s6+s13], $0x1, s12, s13, $0xb8;
	[tilespmem:$0x11B80] =	vst v63  }
0x23: {  	_ = 	snop  }
0x24: {  	[tilespmem:s18], [sflag:$0x1] =	stream.indirect.gather [hbm4b:s7+s13], $0x1, s12, s13, $0xb8;
	[tilespmem:$0x11B80] =	vst v63  }
0x25: {  	_ = 	snop  }
0x26: {  	[tilespmem:s19], [sflag:$0x1] =	stream.indirect.gather [hbm4b:s8+s13], $0x1, s12, s13, $0xb8;
	[tilespmem:$0x11B80] =	vst v63  }
0x27: {  	_ =	swait.ge [sflag:s20], $0x1F40  }
0x28: {  	[sflag:s20] =	ssyncset.done $0x0  }
0x29: {  	[sflag:s20] =	ssyncadd.s32 $0xFFFFE0C0  }
0x2a: {  	_ =	swait.ge [sflag:s20], $0x1F40  }
0x2b: {  	[sflag:s20] =	ssyncset.done $0x0  }
0x2c: {  	[sflag:s20] =	ssyncadd.s32 $0xFFFFE0C0  }
0x2d: {  	_ =	swait.ge [sflag:s20], $0x1F40  }
0x2e: {  	[sflag:s20] =	ssyncset.done $0x0  }
0x2f: {  	[sflag:s20] =	ssyncadd.s32 $0xFFFFE0C0  }
0x30: {  	_ =	swait.ge [sflag:s20], $0x1F40  }
0x31: {  	[sflag:s20] =	ssyncset.done $0x0  }
0x32: {  	[sflag:s20] =	ssyncadd.s32 $0xFFFFE0C0  }
0x33: {  	_ =	swait.ge [sflag:s20], $0x1F40  }
0x34: {  	[sflag:s20] =	ssyncset.done $0x0  }
0x35: {  	[sflag:s20] =	ssyncadd.s32 $0xFFFFE0C0  }
0x36: {  	_ =	swait.ge [sflag:s20], $0x1F40  }
0x37: {  	[sflag:s20] =	ssyncset.done $0x0  }
0x38: {  	s25 =	simm.s32 $0x0;
	[sflag:s20] =	ssyncadd.s32 $0xFFFFE0C0  }
0x39: {  	v0 =	vld [tilespmem:s25+$0x3F00]  }
0x3a: {  	v1 =	vld [tilespmem:s25+$0x5E80]  }
0x3b: {  	v2 =	vld [tilespmem:s25+$0x7E00]  }
0x3c: {  	v3 =	vld [tilespmem:s25+$0xBD00]  }
0x3d: {  	v4 =	vld [tilespmem:s25+$0xDC80]  }
0x3e: {  	v5 =	vld [tilespmem:s25+$0x9D80];
	_ =	sdelay $0x3  }
0x3f: {  	v6 =	vmul.f32 v4, v1;
	v7 =	vmul.f32 v3, v2  }
0x40: {  	v8 =	vmul.f32 v5, v2;
	v9 =	vmul.f32 v4, v0  }
0x41: {  	v10 =	vmul.f32 v3, v0  }
0x42: {  	v11 =	vmul.f32 v5, v1;
	v6 =	vsub.f32 v6, v7;
	v7 =	vsub.f32 v8, v9;
	_ =	sdelay $0x1  }
0x43: {  	v8 =	vsub.f32 v10, v11;
	v6 =	vmul.f32 v6, v6;
	v7 =	vmul.f32 v7, v7;
	_ =	sdelay $0x1  }
0x44: {  	v8 =	vmul.f32 v8, v8;
	v6 =	vadd.f32 v7, v6;
	_ =	sdelay $0x1  }
0x45: {  	v6 =	vadd.f32 v6, v8  }
0x46: {  	s26 =	simm.s32 $0x10  }
0x47: {  	v12 =	vld [tilespmem:s26+$0xDC80];
	v8 =	vmax.f32 v6, $1.000000000e-30  }
0x48: {  	v14 =	vld [tilespmem:s26+$0x7E00];
	v10 =	vshra.s32 v8, $0x1;
	v8 =	vmul.f32 $5.000000000e-01, v8  }
0x49: {  	v16 =	vld [tilespmem:s26+$0x9D80];
	v10 =	vsub.s32 $0x5F3759DF, v10  }
0x4a: {  	v9 =	vld [tilespmem:s26+$0x5E80];
	v13 =	vmul.f32 v10, v8  }
0x4b: {  	v11 =	vld [tilespmem:s26+$0xBD00]  }
0x4c: {  	v7 =	vld [tilespmem:s26+$0x3F00];
	v13 =	vmul.f32 v10, v13;
	_ =	sdelay $0x1  }
0x4d: {  	v13 =	vsub.f32 $1.500000000e+00, v13  }
0x4e: {  	v0 =	vmul.f32 v5, v0;
	v17 =	vmul.f32 v12, v9  }
0x4f: {  	v18 =	vmul.f32 v11, v14;
	v10 =	vmul.f32 v10, v13  }
0x50: {  	v19 =	vmul.f32 v12, v7;
	v13 =	vmul.f32 v16, v14  }
0x51: {  	v20 =	vmul.f32 v16, v9;
	v8 =	vmul.f32 v10, v8  }
0x52: {  	v5 =	vsub.f32 v17, v18;
	v15 =	vmul.f32 v11, v7;
	v13 =	vsub.f32 v13, v19  }
0x53: {  	v1 =	vmul.f32 v3, v1;
	v3 =	vmul.f32 v8, v10  }
0x54: {  	v5 =	vmul.f32 v5, v5;
	v15 =	vsub.f32 v15, v20;
	v8 =	vmul.f32 v13, v13  }
0x55: {  	v0 =	vadd.f32 v1, v0;
	v3 =	vsub.f32 $1.500000000e+00, v3  }
0x56: {  	v1 =	vmul.f32 v4, v2;
	v13 =	vmul.f32 v15, v15;
	v5 =	vadd.f32 v8, v5  }
0x57: {  	s28 =	simm.s32 $0x20;
	v2 =	vmul.f32 v3, v10  }
0x58: {  	v4 =	vld [tilespmem:s28+$0x3F00];
	v15 =	vadd.f32 v1, v0;
	v3 =	vadd.f32 v5, v13  }
0x59: {  	v20 =	vld [tilespmem:s28+$0x9D80];
	v17 =	vmul.f32 v2, v6  }
0x5a: {  	v19 =	vld [tilespmem:s28+$0xDC80];
	v18 =	vand.u32 $0x7FFFFFFF, v15;
	v0 =	vmax.f32 v3, $1.000000000e-30  }
0x5b: {  	v5 =	vld [tilespmem:s28+$0x5E80];
	v1 =	vshra.s32 v0, $0x1;
	v0 =	vmul.f32 $5.000000000e-01, v0;
	v2 =	vmax.f32 v17, v18  }
0x5c: {  	v13 =	vld [tilespmem:s28+$0xBD00];
	v1 =	vsub.s32 $0x5F3759DF, v1;
	v2 =	vmax.f32 v2, $1.000000000e-30  }
0x5d: {  	v6 =	vld [tilespmem:s28+$0x7E00];
	v8 =	vmul.f32 v1, v0;
	(erf) = vrcp.f32 v2;
	_ =	sdelay $0x1  }
0x5e: {  	v2 =	vmul.f32 v1, v8;
	_ =	sdelay $0x1  }
0x5f: {  	v23 =	vmul.f32 v19, v4;
	v10 =	vmul.f32 v19, v5;
	v2 =	vsub.f32 $1.500000000e+00, v2  }
0x60: {  	v21 =	vmul.f32 v13, v6;
	v22 =	vmul.f32 v20, v6  }
0x61: {  	v24 =	vmul.f32 v20, v5;
	v1 =	vmul.f32 v1, v2  }
0x62: {  	v8 =	vmul.f32 v13, v4;
	v2 =	vsub.f32 v10, v21;
	v10 =	vsub.f32 v22, v23  }
0x63: {  	v7 =	vmul.f32 v16, v7;
	v16 =	vmin.f32 v17, v18;
	v0 =	vmul.f32 v1, v0  }
0x64: {  	v8 =	vsub.f32 v8, v24;
	v2 =	vmul.f32 v2, v2;
	v10 =	vmul.f32 v10, v10;
	v21 =	vpop (erf)  }
0x65: {  	v0 =	vmul.f32 v0, v1;
	v16 =	vmul.f32 v21, v16  }
0x66: {  	v9 =	vmul.f32 v11, v9;
	v8 =	vmul.f32 v8, v8  }
0x67: {  	v2 =	vadd.f32 v10, v2;
	v0 =	vsub.f32 $1.500000000e+00, v0;
	v21 =	vmul.f32 v16, v16  }
0x68: {  	s29 =	simm.s32 $0x30;
	v7 =	vadd.f32 v9, v7;
	v9 =	vmul.f32 v12, v14  }
0x69: {  	v11 =	vld [tilespmem:s29+$0xBD00];
	v14 =	vadd.f32 v2, v8;
	v1 =	vmul.f32 v0, v1;
	v10 =	vmul.f32 $-1.172120030e-02, v21  }
0x6a: {  	v24 =	vld [tilespmem:s29+$0x9D80];
	v0 =	vadd.f32 v9, v7  }
0x6b: {  	v22 =	vld [tilespmem:s29+$0x3F00];
	v9 =	vmax.f32 v14, $1.000000000e-30;
	v2 =	vmul.f32 v1, v3;
	v3 =	vadd.f32 $5.265332010e-02, v10  }
0x6c: {  	v8 =	vld [tilespmem:s29+$0x5E80];
	v1 =	vand.u32 $0x7FFFFFFF, v0;
	v10 =	vshra.s32 v9, $0x1;
	v9 =	vmul.f32 $5.000000000e-01, v9  }
0x6d: {  	v7 =	vld [tilespmem:s29+$0x7E00];
	v12 =	vsub.s32 $0x5F3759DF, v10;
	v23 =	vmax.f32 v2, v1;
	v3 =	vmul.f32 v3, v21  }
0x6e: {  	v10 =	vld [tilespmem:s29+$0xDC80];
	v25 =	vmul.f32 v12, v9;
	v23 =	vmax.f32 v23, $1.000000000e-30  }
0x6f: {  	(erf) = vrcp.f32 v23;
	v3 =	vadd.f32 $-1.164328680e-01, v3  }
0x70: {  	v4 =	vmul.f32 v20, v4;
	v20 =	vmul.f32 v12, v25  }
0x71: {  	v29 =	vmul.f32 v24, v8;
	v3 =	vmul.f32 v3, v21  }
0x72: {  	v26 =	vmul.f32 v11, v7;
	v27 =	vmul.f32 v24, v7;
	v20 =	vsub.f32 $1.500000000e+00, v20  }
0x73: {  	v25 =	vmul.f32 v10, v8;
	v28 =	vmul.f32 v10, v22;
	v3 =	vadd.f32 $1.935434640e-01, v3  }
0x74: {  	v23 =	vmul.f32 v11, v22;
	v20 =	vmul.f32 v12, v20  }
0x75: {  	v12 =	vsub.f32 v25, v26;
	v25 =	vsub.f32 v27, v28;
	v3 =	vmul.f32 v3, v21  }
0x76: {  	v13 =	vmul.f32 v13, v5;
	v23 =	vsub.f32 v23, v29;
	v5 =	vmul.f32 v20, v9  }
0x77: {  	v9 =	vmul.f32 v12, v12;
	v12 =	vmul.f32 v25, v25;
	v3 =	vadd.f32 $-3.326234820e-01, v3  }
0x78: {  	v23 =	vmul.f32 v23, v23;
	v25 =	vmul.f32 v5, v20;
	v5 =	vmin.f32 v2, v1;
	v26 =	vpop (erf)  }
0x79: {  	v9 =	vadd.f32 v12, v9;
	v5 =	vmul.f32 v26, v5;
	v3 =	vmul.f32 v3, v21  }
0x7a: {  	v6 =	vmul.f32 v19, v6;
	v4 =	vadd.f32 v13, v4;
	v13 =	vsub.f32 $1.500000000e+00, v25  }
0x7b: {  	v12 =	vadd.f32 v9, v23;
	v9 =	vmul.f32 v5, v5;
	v19 =	vadd.f32 $9.999772310e-01, v3  }
0x7c: {  	s30 =	simm.s32 $0x40;
	v3 =	vadd.f32 v6, v4;
	v6 =	vmul.f32 v13, v20  }
0x7d: {  	vm0 =	vgt.f32 v17, v18;
	v18 =	vld [tilespmem:s30+$0xBD00];
	v20 =	vmul.f32 $-1.172120030e-02, v9;
	v23 =	vmul.f32 v19, v16  }
0x7e: {  	v21 =	vmax.f32 v12, $1.000000000e-30;
	v13 =	vld [tilespmem:s30+$0x3F00];
	v4 =	vand.u32 $0x7FFFFFFF, v3;
	v6 =	vmul.f32 v6, v14  }
0x7f: {  	v19 =	vshra.s32 v21, $0x1;
	v16 =	vld [tilespmem:s30+$0x5E80];
	v25 =	vadd.f32 $5.265332010e-02, v20;
	v26 =	vsub.f32 $1.570796370e+00, v23  }
0x80: {  	v14 =	vld [tilespmem:s30+$0x7E00];
	v20 =	vsub.s32 $0x5F3759DF, v19;
	v19 =	vmul.f32 $5.000000000e-01, v21;
	v17 =	vmax.f32 v6, v4  }
0x81: {  	v21 =	vmul.f32 v25, v9;
	v25 =	vsel vm0, v26, v23;
	v23 =	vmax.f32 v17, $1.000000000e-30;
	v17 =	vld [tilespmem:s30+$0xDC80]  }
0x82: {  	v26 =	vmul.f32 v20, v19;
	v27 =	vsub.f32 $3.141592740e+00, v25;
	(erf) = vrcp.f32 v23;
	v23 =	vld [tilespmem:s30+$0x9D80]  }
0x83: {  	vm15 =	vlt.f32 v15, $0.0e+00;
	v21 =	vadd.f32 $-1.164328680e-01, v21  }
0x84: {  	s31 =	simm.s32 $0x140;
	v22 =	vmul.f32 v24, v22;
	v24 =	vmul.f32 v20, v26;
	v15 =	vsel vm15, v27, v25  }
.LBB2_3:
0x85: {  	p0 =	sne.s32 s31, $0x7CC0;
	v25 =	vmul.f32 v18, v13;
	v21 =	vmul.f32 v21, v9;
	[tilespmem:s25+$0xFC00] =	vst v15;
	s25 =	smov.u32 s26;
	s26 =	smov.u32 s28  }
0x86: {  	v26 =	vmul.f32 v18, v14;
	s28 =	smov.u32 s29;
	s29 =	smov.u32 s30;
	v15 =	vmul.f32 v17, v16;
	v24 =	vsub.f32 $1.500000000e+00, v24  }
0x87: {  	v28 =	vmul.f32 v17, v13;
	v27 =	vmul.f32 v23, v14;
	v21 =	vadd.f32 $1.935434640e-01, v21;
	v29 =	vmovc v23  }
0x88: {  	v23 =	vmul.f32 v29, v16;
	v20 =	vmul.f32 v20, v24  }
0x89: {  	v15 =	vsub.f32 v15, v26;
	v26 =	vsub.f32 v27, v28;
	v21 =	vmul.f32 v21, v9  }
0x8a: {  	v23 =	vsub.f32 v25, v23;
	v25 =	vmul.f32 v11, v8;
	v19 =	vmul.f32 v20, v19;
	v8 =	vmovc v16  }
0x8b: {  	v15 =	vmul.f32 v15, v15;
	v11 =	vmovc v18;
	v16 =	vmul.f32 v26, v26;
	v21 =	vadd.f32 $-3.326234820e-01, v21  }
0x8c: {  	v18 =	vmul.f32 v23, v23;
	v19 =	vmul.f32 v19, v20;
	v23 =	vmin.f32 v6, v4;
	v24 =	vpop (erf)  }
0x8d: {  	v15 =	vadd.f32 v16, v15;
	v16 =	vmul.f32 v24, v23;
	v21 =	vmul.f32 v21, v9  }
0x8e: {  	v22 =	vadd.f32 v25, v22;
	v23 =	vmul.f32 v10, v7;
	v7 =	vmovc v14;
	v10 =	vmovc v17;
	v19 =	vsub.f32 $1.500000000e+00, v19  }
0x8f: {  	v15 =	vadd.f32 v15, v18;
	v9 =	vmul.f32 v16, v16;
	v14 =	vadd.f32 $9.999772310e-01, v21  }
0x90: {  	s30 =	sshra.s32 s31, $0x2;
	v22 =	vadd.f32 v23, v22;
	v17 =	vmul.f32 v19, v20  }
0x91: {  	v25 =	vld [tilespmem:s30+$0x3F00];
	v19 =	vmax.f32 v15, $1.000000000e-30;
	v18 =	vmul.f32 $-1.172120030e-02, v9;
	v21 =	vmul.f32 v14, v5;
	v5 =	vmovc v16  }
0x92: {  	v23 =	vand.u32 $0x7FFFFFFF, v22;
	v16 =	vld [tilespmem:s30+$0x5E80];
	v20 =	vshra.s32 v19, $0x1  }
0x93: {  	v24 =	vmul.f32 v17, v12;
	v12 =	vmovc v15;
	v14 =	vld [tilespmem:s30+$0x7E00];
	v26 =	vadd.f32 $5.265332010e-02, v18;
	v27 =	vsub.f32 $1.570796370e+00, v21  }
.Ltmp0:
0x94: {  	vm0 =	vgt.f32 v2, v1;
	v1 =	vmovc v4;
	v19 =	vmul.f32 $5.000000000e-01, v19;
	v4 =	vmovc v23;
	v20 =	vsub.s32 $0x5F3759DF, v20;
	v18 =	vld [tilespmem:s30+$0xBD00];
	(pc) =	sbr.rel @p0 .LBB2_3-.Ltmp0, $4  }
0x95: {  	v2 =	vmovc v6;
	v15 =	vmax.f32 v24, v4;
	v17 =	vld [tilespmem:s30+$0xDC80];
	v26 =	vmul.f32 v26, v9;
	v27 =	vsel vm0, v27, v21  }
0x96: {  	v28 =	vmul.f32 v20, v19;
	v6 =	vmovc v24;
	v15 =	vmax.f32 v15, $1.000000000e-30;
	v23 =	vld [tilespmem:s30+$0x9D80];
	v30 =	vsub.f32 $3.141592740e+00, v27  }
0x97: {  	vm0 =	vlt.f32 v0, $0.0e+00;
	v0 =	vmovc v3;
	v3 =	vmovc v22;
	(erf) = vrcp.f32 v15;
	v21 =	vadd.f32 $-1.164328680e-01, v26  }
0x98: {  	s31 =	sadd.s32 $0x40, s31;
	v22 =	vmul.f32 v29, v13;
	v24 =	vmul.f32 v20, v28;
	v13 =	vmovc v25;
	v15 =	vsel vm0, v30, v27  }
0x99: {  	_ = 	snop  }
0x9a: {  	v26 =	vmul.f32 v18, v14;
	v25 =	vmul.f32 v17, v16  }
0x9b: {  	v28 =	vmul.f32 v17, v13;
	v27 =	vmul.f32 v23, v14  }
0x9c: {  	v29 =	vmul.f32 v18, v13  }
0x9d: {  	v57 =	vmul.f32 v23, v16;
	v25 =	vsub.f32 v25, v26;
	v27 =	vsub.f32 v27, v28;
	_ =	sdelay $0x1  }
0x9e: {  	v26 =	vsub.f32 v29, v57;
	v25 =	vmul.f32 v25, v25;
	v27 =	vmul.f32 v27, v27;
	_ =	sdelay $0x1  }
0x9f: {  	v26 =	vmul.f32 v26, v26;
	v25 =	vadd.f32 v27, v25;
	_ =	sdelay $0x1  }
0xa0: {  	v25 =	vadd.f32 v25, v26;
	_ =	sdelay $0x1  }
0xa1: {  	v26 =	vmax.f32 v25, $1.000000000e-30  }
0xa2: {  	v58 =	vshra.s32 v26, $0x1;
	v26 =	vmul.f32 $5.000000000e-01, v26  }
0xa3: {  	v27 =	vsub.s32 $0x5F3759DF, v58  }
0xa4: {  	v59 =	vmul.f32 v27, v26;
	_ =	sdelay $0x1  }
0xa5: {  	v28 =	vmul.f32 v27, v59  }
0xa6: {  	v24 =	vsub.f32 $1.500000000e+00, v24  }
0xa7: {  	v28 =	vsub.f32 $1.500000000e+00, v28  }
0xa8: {  	v20 =	vmul.f32 v20, v24  }
0xa9: {  	v60 =	vmul.f32 v27, v28  }
0xaa: {  	v19 =	vmul.f32 v20, v19  }
0xab: {  	v26 =	vmul.f32 v60, v26  }
0xac: {  	v19 =	vmul.f32 v19, v20  }
0xad: {  	v8 =	vmul.f32 v11, v8;
	v61 =	vmul.f32 v26, v60  }
0xae: {  	v63 =	vmul.f32 v18, v16;
	v62 =	vmul.f32 v23, v13;
	v19 =	vsub.f32 $1.500000000e+00, v19  }
0xaf: {  	v7 =	vmul.f32 v10, v7;
	v8 =	vadd.f32 v8, v22;
	v22 =	vsub.f32 $1.500000000e+00, v61  }
0xb0: {  	v13 =	vadd.f32 v63, v62;
	v23 =	vmul.f32 v19, v20;
	v26 =	vmul.f32 v17, v14  }
0xb1: {  	v7 =	vadd.f32 v7, v8;
	v27 =	vmul.f32 v22, v60  }
0xb2: {  	v28 =	vmul.f32 v23, v12;
	v29 =	vadd.f32 v26, v13  }
0xb3: {  	v30 =	vand.u32 $0x7FFFFFFF, v7;
	v8 =	vmul.f32 v27, v25  }
0xb4: {  	v31 =	vmax.f32 v28, v30;
	v14 =	vand.u32 $0x7FFFFFFF, v29  }
0xb5: {  	v13 =	vmax.f32 v31, $1.000000000e-30;
	v32 =	vmax.f32 v8, v14  }
0xb6: {  	(erf) = vrcp.f32 v13;
	v33 =	vmax.f32 v32, $1.000000000e-30  }
0xb7: {  	(erf) = vrcp.f32 v33;
	_ =	sdelay $0x6  }
0xb8: {  	v35 =	vmin.f32 v6, v4;
	v34 =	vpop (erf)  }
0xb9: {  	v37 =	vmin.f32 v28, v30;
	v13 =	vmul.f32 v34, v35;
	v36 =	vpop (erf)  }
0xba: {  	v38 =	vmin.f32 v8, v14;
	v16 =	vmul.f32 v36, v37;
	v39 =	vpop (erf)  }
0xbb: {  	v40 =	vmul.f32 v13, v13;
	v17 =	vmul.f32 v39, v38  }
0xbc: {  	v41 =	vmul.f32 v16, v16  }
0xbd: {  	v42 =	vmul.f32 $-1.172120030e-02, v40;
	v43 =	vmul.f32 v17, v17  }
0xbe: {  	v44 =	vmul.f32 $-1.172120030e-02, v41  }
0xbf: {  	v20 =	vadd.f32 $5.265332010e-02, v42;
	v45 =	vmul.f32 $-1.172120030e-02, v43  }
0xc0: {  	v23 =	vadd.f32 $5.265332010e-02, v44  }
0xc1: {  	v20 =	vmul.f32 v20, v40;
	v24 =	vadd.f32 $5.265332010e-02, v45  }
0xc2: {  	v23 =	vmul.f32 v23, v41  }
0xc3: {  	v21 =	vmul.f32 v21, v9;
	v20 =	vadd.f32 $-1.164328680e-01, v20;
	v24 =	vmul.f32 v24, v43  }
0xc4: {  	v23 =	vadd.f32 $-1.164328680e-01, v23  }
0xc5: {  	v21 =	vadd.f32 $1.935434640e-01, v21;
	v20 =	vmul.f32 v20, v40;
	v24 =	vadd.f32 $-1.164328680e-01, v24  }
0xc6: {  	v23 =	vmul.f32 v23, v41  }
0xc7: {  	v21 =	vmul.f32 v21, v9;
	v20 =	vadd.f32 $1.935434640e-01, v20;
	v24 =	vmul.f32 v24, v43  }
0xc8: {  	v23 =	vadd.f32 $1.935434640e-01, v23  }
0xc9: {  	v21 =	vadd.f32 $-3.326234820e-01, v21;
	v20 =	vmul.f32 v20, v40;
	v47 =	vadd.f32 $1.935434640e-01, v24  }
0xca: {  	v23 =	vmul.f32 v23, v41  }
0xcb: {  	v46 =	vmul.f32 v21, v9;
	v20 =	vadd.f32 $-3.326234820e-01, v20;
	v21 =	vmul.f32 v47, v43  }
0xcc: {  	v23 =	vadd.f32 $-3.326234820e-01, v23  }
0xcd: {  	v9 =	vadd.f32 $9.999772310e-01, v46;
	v48 =	vmul.f32 v20, v40;
	v49 =	vadd.f32 $-3.326234820e-01, v21  }
0xce: {  	v18 =	vmul.f32 v23, v41  }
0xcf: {  	v5 =	vmul.f32 v9, v5;
	v9 =	vadd.f32 $9.999772310e-01, v48;
	v19 =	vmul.f32 v49, v43  }
0xd0: {  	vm0 =	vgt.f32 v2, v1;
	v51 =	vadd.f32 $9.999772310e-01, v18  }
0xd1: {  	v50 =	vsub.f32 $1.570796370e+00, v5;
	v52 =	vmul.f32 v9, v13;
	v53 =	vadd.f32 $9.999772310e-01, v19  }
0xd2: {  	vm9 =	vlt.f32 v0, $0.0e+00;
	vm10 =	vgt.f32 v6, v4;
	v1 =	vmul.f32 v51, v16  }
0xd3: {  	v2 =	vsel vm0, v50, v5;
	v55 =	vsub.f32 $1.570796370e+00, v52;
	v9 =	vmul.f32 v53, v17  }
0xd4: {  	vm13 =	vlt.f32 v3, $0.0e+00;
	v54 =	vsub.f32 $3.141592740e+00, v2;
	v56 =	vsub.f32 $1.570796370e+00, v1  }
0xd5: {  	vm11 =	vgt.f32 v28, v30;
	v0 =	vsel vm10, v55, v52;
	v57 =	vsub.f32 $1.570796370e+00, v9  }
0xd6: {  	vm12 =	vgt.f32 v8, v14;
	v58 =	vsub.f32 $3.141592740e+00, v0;
	v1 =	vsel vm11, v56, v1  }
0xd7: {  	[tilespmem:s25+$0xFC00] =	vst v15;
	v2 =	vsel vm9, v54, v2;
	v60 =	vsub.f32 $3.141592740e+00, v1;
	v59 =	vsel vm12, v57, v9  }
0xd8: {  	vm14 =	vlt.f32 v7, $0.0e+00;
	[tilespmem:s26+$0xFC00] =	vst v2;
	v0 =	vsel vm13, v58, v0;
	v61 =	vsub.f32 $3.141592740e+00, v59  }
0xd9: {  	s23 =	sadd.s32 $0x1, s23;
	vm15 =	vlt.f32 v29, $0.0e+00;
	[tilespmem:s28+$0xFC00] =	vst v0;
	v62 =	vsel vm14, v60, v1  }
0xda: {  	p0 =	sne.s32 s23, $0x32;
	[tilespmem:s29+$0xFC00] =	vst v62;
	v63 =	vsel vm15, v61, v59  }
.Ltmp1:
0xdb: {  	s24 =	sadd.s32 s3, s24;
	[tilespmem:s30+$0xFC00] =	vst v63;
	(pc) =	sbr.rel @p0 .LBB2_2-.Ltmp1, $4  }
0xdc: {  	[hbm4b:s24+s4] =	stream.linear.scatter [tilespmem:s21], [sflag:$0x2], $0x1F40, $0x38;
	[tilespmem:$0x11B80] =	vst v63  }
0xdd: {  	_ =	swait.ge [sflag:s11], $0x1F40  }
0xde: {  	[sflag:s11] =	ssyncset.done $0x0  }
0xdf: {  	[sflag:s11] =	ssyncadd.s32 $0xFFFFE0C0  }
0xe0: {  	s22 =	sadd.s32 $0x1, s22  }
0xe1: {  	p0 =	sne.s32 s22, s10  }
.Ltmp2:
0xe2: {  	_ = 	snop;
	(pc) =	sbr.rel @p0 .LBB2_1-.Ltmp2, $1  }
0xe3: {  	_ =	sdelay $0x3  }
0xe4: {  	_ =	sfence.sel $0x180000  }
0xe5: {  	[bflag:$0x0] =	sbarrier.arrive $0xFFFF  }
0xe6: {  	p0 =	sne.s32 s5, $0x0;
	_ =	strace $0x9000004A  }
0xe7: {  	s0 =	sadd.s32 @!p0 $0x100000, s0;
	[bflag:$0x2] =	sbarrier.arrive $0xFFFF  }
0xe8: {  	[sflag:s0] =	ssyncadd.tile.s32 @!p0 $0x1;
	_ =	shalt  }
.Lfunc_end2:
_tile_overlayer_lowered:
.L_overlay_start_2:
0xe9: {  	(tag) =	ssettag $0x2  }
0xea: {  	s0 =	rddreg [dreg:$0x0];
	s2 =	stileid.u32  }
0xeb: {  	s1 =	rddreg [dreg:$0x1];
	p0 =	sne.s32 s2, $0x0  }
0xec: {  	s3 =	rddreg [dreg:$0x2];
	[bflag:$0x3] =	sbarrier.arrive $0xFFFF;
	s2 =	simm.s32 @!p0 $0x1C02  }
0xed: {  	[timem:s3], [sflag:s2] =	dma.local @!p0 [hbm:s0], s1  }
0xee: {  	s0 =	simm.s32 @!p0 $0x2  }
0xef: {  	_ =	swait.ge @!p0 [sflag:s0], s1  }
0xf0: {  	s1 =	ssub.s32 @!p0 $0x0, s1;
	[sflag:s0] =	ssyncset.done @!p0 $0x0  }
0xf1: {  	[sflag:s0] =	ssyncadd.s32 @!p0 s1  }
0xf2: {  	[bflag:$0x3] =	sbarrier.arrive $0xFFFF  }
0xf3: {  	_ =	shalt  }

</sc_bundles>
